<compile_context>
chip_gen: v7x
topology: tpu7x:2x2x1
jax: 0.10.2.dev20260603
libtpu: 0.0.44.dev20260713+nightly
codegen_flags: <defaults>
</compile_context>

<pallas_src>
import functools

import jax
import jax.numpy as jnp
from jax import lax
from jax.experimental import pallas as pl
from jax.experimental.pallas import tpu as pltpu
from jax.experimental.pallas import tpu_sc as plsc

_LANES = 16
_BATCH = 80
_CNT_W = 128
_ZCH = 8


def _sc_segment_sum(x, src, dst, n_acc, batches_per_tile):
  info = plsc.get_sparse_core_info()
  nc, ns = info.num_cores, info.num_subcores
  d = x.shape[1]
  rows_per_tile = n_acc // ns
  mesh = plsc.VectorSubcoreMesh(core_axis_name="c", subcore_axis_name="s")

  @functools.partial(
      pl.kernel,
      out_type=(
          jax.ShapeDtypeStruct((nc, n_acc, d), jnp.float32),
      ),
      mesh=mesh,
      scratch_types=dict(
          srcb=pltpu.VMEM((_BATCH,), jnp.int32),
          dstb=pltpu.VMEM((_BATCH,), jnp.int32),
          srcb1=pltpu.VMEM((_BATCH,), jnp.int32),
          dstb1=pltpu.VMEM((_BATCH,), jnp.int32),
          rows_v=pltpu.VMEM((_BATCH, d), jnp.float32),
          rows_v1=pltpu.VMEM((_BATCH, d), jnp.float32),
          acc_sh=pltpu.VMEM_SHARED((n_acc, d), jnp.float32),
          sem=pltpu.SemaphoreType.DMA,
          sem1=pltpu.SemaphoreType.DMA,
      ),
  )
  def k(x_hbm, src_hbm, dst_hbm, acc_out, srcb, dstb, srcb1, dstb1,
        rows_v, rows_v1, acc_sh, sem, sem1):
    cid = lax.axis_index("c")
    sid = lax.axis_index("s")
    wid = cid * ns + sid

    zeros16 = jnp.zeros((_LANES,), jnp.float32)

    def fill_rows(i, _):
      r = i // (d // _LANES)
      c = (i % (d // _LANES)) * _LANES
      rows_v[r, pl.ds(c, _LANES)] = zeros16
      return 0
    lax.fori_loop(0, _ZCH * (d // _LANES), fill_rows, 0)

    zbase = sid * rows_per_tile

    def zero_acc(t, _):
      pltpu.sync_copy(rows_v.at[pl.ds(0, _ZCH)],
                      acc_sh.at[pl.ds(zbase + t * _ZCH, _ZCH)])
      return 0
    lax.fori_loop(0, rows_per_tile // _ZCH, zero_acc, 0)

    plsc.subcore_barrier()

    tbase = wid * batches_per_tile

    def stage(j, sb, db):
      base = (tbase + j) * _BATCH
      pltpu.sync_copy(src_hbm.at[pl.ds(base, _BATCH)], sb)
      pltpu.sync_copy(dst_hbm.at[pl.ds(base, _BATCH)], db)

    stage(0, srcb, dstb)
    cp0 = pltpu.async_copy(x_hbm.at[srcb], rows_v, sem)

    def pair_body(p, _):
      j0 = 2 * p
      stage(j0 + 1, srcb1, dstb1)
      pltpu.async_copy(x_hbm.at[srcb1], rows_v1, sem1)
      pltpu.make_async_copy(x_hbm.at[srcb], rows_v, sem).wait()
      pltpu.sync_copy(rows_v, acc_sh.at[dstb], add=True)
      @pl.when(j0 + 2 < batches_per_tile)
      def _():
        stage(j0 + 2, srcb, dstb)
        pltpu.async_copy(x_hbm.at[srcb], rows_v, sem)
      pltpu.make_async_copy(x_hbm.at[srcb1], rows_v1, sem1).wait()
      pltpu.sync_copy(rows_v1, acc_sh.at[dstb1], add=True)
      return 0
    lax.fori_loop(0, batches_per_tile // 2, pair_body, 0)

    if batches_per_tile % 2:
      pltpu.make_async_copy(x_hbm.at[srcb], rows_v, sem).wait()
      pltpu.sync_copy(rows_v, acc_sh.at[dstb], add=True)
    del cp0
    plsc.subcore_barrier()

    pltpu.sync_copy(acc_sh.at[pl.ds(zbase, rows_per_tile)],
                    acc_out.at[cid, pl.ds(zbase, rows_per_tile)])

  return k(x, src, dst)


def _sc_counts(dst, n_acc, batches_per_tile):
  info = plsc.get_sparse_core_info()
  nc, ns = info.num_cores, info.num_subcores
  rows_per_tile = n_acc // ns
  mesh = plsc.VectorSubcoreMesh(core_axis_name="c", subcore_axis_name="s")

  @functools.partial(
      pl.kernel,
      out_type=(jax.ShapeDtypeStruct((nc, n_acc, _CNT_W), jnp.float32),),
      mesh=mesh,
      scratch_types=dict(
          dstb=pltpu.VMEM((_BATCH,), jnp.int32),
          dstb1=pltpu.VMEM((_BATCH,), jnp.int32),
          ones_v=pltpu.VMEM((_BATCH, _CNT_W), jnp.float32),
          zcnt_v=pltpu.VMEM((_ZCH, _CNT_W), jnp.float32),
          cnt_sh=pltpu.VMEM_SHARED((n_acc, _CNT_W), jnp.float32),
          semc=pltpu.SemaphoreType.DMA,
          semc1=pltpu.SemaphoreType.DMA,
      ),
  )
  def k(dst_hbm, cnt_out, dstb, dstb1, ones_v, zcnt_v, cnt_sh, semc, semc1):
    cid = lax.axis_index("c")
    sid = lax.axis_index("s")
    wid = cid * ns + sid

    ones16 = jnp.ones((_LANES,), jnp.float32)
    zeros16 = jnp.zeros((_LANES,), jnp.float32)
    lanes_per_row = _CNT_W // _LANES

    def fill_ones(i, _):
      r = i // lanes_per_row
      c = (i % lanes_per_row) * _LANES
      ones_v[r, pl.ds(c, _LANES)] = ones16
      return 0
    lax.fori_loop(0, _BATCH * lanes_per_row, fill_ones, 0)

    def fill_zeros(i, _):
      r = i // lanes_per_row
      c = (i % lanes_per_row) * _LANES
      zcnt_v[r, pl.ds(c, _LANES)] = zeros16
      return 0
    lax.fori_loop(0, _ZCH * lanes_per_row, fill_zeros, 0)
    zbase = sid * rows_per_tile

    def zero_cnt(t, _):
      pltpu.sync_copy(zcnt_v, cnt_sh.at[pl.ds(zbase + t * _ZCH, _ZCH)])
      return 0
    lax.fori_loop(0, rows_per_tile // _ZCH, zero_cnt, 0)
    plsc.subcore_barrier()

    tbase = wid * batches_per_tile

    def stage(j, db):
      pltpu.sync_copy(dst_hbm.at[pl.ds((tbase + j) * _BATCH, _BATCH)], db)

    stage(0, dstb)

    def pair_body(p, _):
      j0 = 2 * p
      pltpu.async_copy(ones_v, cnt_sh.at[dstb], semc, add=True)
      stage(j0 + 1, dstb1)
      pltpu.make_async_copy(ones_v, cnt_sh.at[dstb], semc).wait()
      pltpu.async_copy(ones_v, cnt_sh.at[dstb1], semc1, add=True)
      @pl.when(j0 + 2 < batches_per_tile)
      def _():
        stage(j0 + 2, dstb)
      pltpu.make_async_copy(ones_v, cnt_sh.at[dstb1], semc1).wait()
      return 0
    lax.fori_loop(0, batches_per_tile // 2, pair_body, 0)

    if batches_per_tile % 2:
      pltpu.sync_copy(ones_v, cnt_sh.at[dstb], add=True)
    plsc.subcore_barrier()

    pltpu.sync_copy(cnt_sh.at[pl.ds(zbase, rows_per_tile)],
                    cnt_out.at[cid, pl.ds(zbase, rows_per_tile)])

  return k(dst)


def _tc_body(x_ref, acc_ref, cnt_ref, w_ref, b_ref, o_ref):
  d = x_ref.shape[1]
  s = acc_ref[0] + acc_ref[1]
  cnt = cnt_ref[0, :, 0:1] + cnt_ref[1, :, 0:1]
  inv = 1.0 / jnp.maximum(cnt, 1.0)
  z = (jnp.dot(x_ref[...], w_ref[0:d, :], preferred_element_type=jnp.float32)
       + jnp.dot(s, w_ref[d:2 * d, :], preferred_element_type=jnp.float32)
       * inv + b_ref[...])
  o_ref[...] = jnp.where(z > 0, z, 0.01 * z)


def kernel(x, edge_index, edge_type, r, W, b):
  del edge_type, r
  n, d = x.shape
  e = edge_index.shape[1]
  n_tiles = 32
  per_tile_edges = -(-e // (n_tiles * _BATCH)) * _BATCH
  ep = per_tile_edges * n_tiles
  batches_per_tile = per_tile_edges // _BATCH
  n_acc = -(-n // 128) * 128
  pad_rows = max(n_acc - n, 1)

  pad = ep - e
  src = jnp.concatenate(
      [edge_index[0], jnp.arange(pad, dtype=jnp.int32) % n])
  dst = jnp.concatenate(
      [edge_index[1], n + jnp.arange(pad, dtype=jnp.int32) % pad_rows])

  (acc_p,) = _sc_segment_sum(x, src, dst, n_acc, batches_per_tile)
  token = lax.convert_element_type(acc_p[0, 0, 0], jnp.int32) * 0
  (cnt_p,) = _sc_counts(dst + token, n_acc, batches_per_tile)

  blk = 1000
  grid = (n // blk,)
  out = pl.pallas_call(
      _tc_body,
      grid=grid,
      in_specs=[
          pl.BlockSpec((blk, d), lambda i: (i, 0)),
          pl.BlockSpec((2, blk, d), lambda i: (0, i, 0)),
          pl.BlockSpec((2, blk, _CNT_W), lambda i: (0, i, 0)),
          pl.BlockSpec((2 * d, d), lambda i: (0, 0)),
          pl.BlockSpec((1, d), lambda i: (0, 0)),
      ],
      out_specs=pl.BlockSpec((blk, d), lambda i: (i, 0)),
      out_shape=jax.ShapeDtypeStruct((n, d), jnp.float32),
  )(x, acc_p, cnt_p, W, b.reshape(1, d))
  return out

# --- scband reference (transcript-rebuilt; emitter-appended) ---
"""Pipeline reference for scband-gin-rec-32341103739245 (READ-ONLY COPY).

The authoritative reference and input builder live on the scoring server;
editing this copy changes nothing except your own understanding.
"""

import jax, jax.numpy as jnp
import numpy as np


def setup_inputs(seed: int = 0) -> dict:
    key = jax.random.key(seed)
    ks = jax.random.split(key, 6)
    N, E, D, R = 10000, 320000, 128, 8
    x = jax.random.normal(ks[0], (N, D), dtype=jnp.float32)
    edge_index = jax.random.randint(ks[1], (2, E), 0, N, dtype=jnp.int32)
    edge_type = jax.random.randint(ks[2], (E,), 0, R, dtype=jnp.int32)
    r = jax.random.normal(ks[3], (R, 2 * D, D), dtype=jnp.float32)
    # Learned params of SimpleRecConv with aggregator='graphsage': Linear(2*D -> D)
    W = jax.random.normal(ks[4], (2 * D, D), dtype=jnp.float32) / np.sqrt(2 * D)
    b = jnp.zeros((D,), dtype=jnp.float32)
    return {"x": x, "edge_index": edge_index, "edge_type": edge_type, "r": r, "W": W, "b": b}


def reference(x, edge_index, edge_type, r, W, b):
    # SimpleRecConv.forward with gate_type=None, attention=None, softmax=False,
    # aggregator='graphsage', activation=True (LeakyReLU), normalize=False.
    # gate_type is None -> message func is copy_u('h','m'), reduce is fn.mean.
    # r / edge_type are carried through the signature but unused when the gate is disabled.
    N = x.shape[0]
    src = edge_index[0]
    dst = edge_index[1]
    m = jnp.take(x, src, axis=0)                                   # gather src node features per edge
    s = jax.ops.segment_sum(m, dst, num_segments=N)                 # scatter-add to dst nodes
    cnt = jax.ops.segment_sum(jnp.ones((m.shape[0],), dtype=x.dtype), dst, num_segments=N)
    h_N = s / jnp.maximum(cnt, 1.0)[:, None]                        # fn.mean semantics (0 for isolated nodes)
    c = jnp.concatenate([x, h_N], axis=-1)                          # graphsage: cat(h, h_N)
    h = c @ W + b                                                   # self.linear
    h = jnp.where(h > 0, h, 0.01 * h)                               # nn.LeakyReLU (slope 0.01)
    return h

if __name__ == "__main__":
    import jax
    _d = setup_inputs()
    print(jax.jit(kernel)(*tuple(_d.values())))

</pallas_src>

<mosaic_0001>
#map = affine_map<(d0, d1) -> (0, 0)>
#map1 = affine_map<(d0, d1) -> (0)>
#map2 = affine_map<(d0, d1) -> (0, 0, 0)>
module attributes {stable_mosaic.version = 14 : i64} {
  func.func @k(%arg0: i32, %arg1: i32, %arg2: memref<10000x128xf32, #tpu.memory_space<hbm>>, %arg3: memref<320000xi32, #tpu.memory_space<hbm>>, %arg4: memref<320000xi32, #tpu.memory_space<hbm>>, %arg5: memref<2x10112x128xf32, #tpu.memory_space<hbm>>, %arg6: memref<10112x128xf32, #tpu.memory_space<vmem_shared>>, %arg7: memref<80xi32, #tpu.memory_space<vmem>>, %arg8: memref<80xi32, #tpu.memory_space<vmem>>, %arg9: memref<80x128xf32, #tpu.memory_space<vmem>>, %arg10: memref<80x128xf32, #tpu.memory_space<vmem>>, %arg11: memref<!tpu.dma_semaphore, #tpu.memory_space<semaphore_mem>>, %arg12: memref<!tpu.dma_semaphore, #tpu.memory_space<semaphore_mem>>, %arg13: memref<80xi32, #tpu.memory_space<vmem>>, %arg14: memref<80xi32, #tpu.memory_space<vmem>>) attributes {dimension_semantics = [#tpu.dimension_semantics<core_parallel>, #tpu.dimension_semantics<subcore_parallel>], iteration_bounds = array<i64: 2, 16>, scalar_prefetch = 0 : i64, scratch_operands = 9 : i64, tpu.core_type = #tpu.core_type<sc_vector_subcore>, window_params = [{transform_indices = #map}, {transform_indices = #map1}, {transform_indices = #map1}, {transform_indices = #map2}]} {
    %mul3A = arith.constant 16 : i32
    %mul3A_0 = arith.muli %arg0, %mul3A : i32
    %add3A = arith.addi %mul3A_0, %arg1 : i32
    %broadcast_in_dim3A = arith.constant 0.000000e+00 : f32
    %broadcast_in_dim3A_1 = vector.broadcast %broadcast_in_dim3A : f32 to vector<16xf32>
    %scan3A = arith.constant 0 : i32
    %scan3A_2 = arith.constant 0 : i32
    %scan3A_3 = arith.constant 64 : i32
    %scan3A_4 = arith.addi %scan3A_2, %scan3A_3 : i32
    %scan3A_5 = arith.constant 1 : i32
    %scan3A_6 = scf.for %scan3A_35 = %scan3A_2 to %scan3A_4 step %scan3A_5 iter_args(%scan3A_36 = %scan3A) -> (i32)  : i32 {
      %jit3A = arith.constant 8 : i32
      %div3A = arith.divsi %scan3A_35, %jit3A : i32
      %sign3A = arith.constant 0 : i32
      %sign3A_37 = arith.cmpi sgt, %scan3A_35, %sign3A : i32
      %sign3A_38 = arith.extui %sign3A_37 : i1 to i32
      %sign3A_39 = arith.constant 0 : i32
      %sign3A_40 = arith.cmpi slt, %scan3A_35, %sign3A_39 : i32
      %sign3A_41 = arith.extui %sign3A_40 : i1 to i32
      %sign3A_42 = arith.subi %sign3A_38, %sign3A_41 : i32
      %sign3A_43 = arith.constant 0 : i32
      %sign3A_44 = arith.cmpi sgt, %jit3A, %sign3A_43 : i32
      %sign3A_45 = arith.extui %sign3A_44 : i1 to i32
      %sign3A_46 = arith.constant 0 : i32
      %sign3A_47 = arith.cmpi slt, %jit3A, %sign3A_46 : i32
      %sign3A_48 = arith.extui %sign3A_47 : i1 to i32
      %sign3A_49 = arith.subi %sign3A_45, %sign3A_48 : i32
      %ne3A = arith.cmpi ne, %sign3A_42, %sign3A_49 : i32
      %rem3A = arith.remsi %scan3A_35, %jit3A : i32
      %ne3A_50 = arith.constant 0 : i32
      %ne3A_51 = arith.cmpi ne, %rem3A, %ne3A_50 : i32
      %and3A = arith.andi %ne3A, %ne3A_51 : i1
      %sub3A = arith.constant 1 : i32
      %sub3A_52 = arith.subi %div3A, %sub3A : i32
      %select_n3A = arith.select %and3A, %sub3A_52, %div3A : i32
      %jit3A_53 = arith.constant 8 : i32
      %eq3A = arith.constant 0 : i32
      %eq3A_54 = arith.cmpi eq, %jit3A_53, %eq3A : i32
      %jit3A_55 = arith.constant 1 : i32
      %select_n3A_56 = arith.select %eq3A_54, %jit3A_55, %jit3A_53 : i32
      %rem3A_57 = arith.remsi %scan3A_35, %select_n3A_56 : i32
      %ne3A_58 = arith.constant 0 : i32
      %ne3A_59 = arith.cmpi ne, %rem3A_57, %ne3A_58 : i32
      %lt3A = arith.constant 0 : i32
      %lt3A_60 = arith.cmpi slt, %rem3A_57, %lt3A : i32
      %lt3A_61 = arith.constant 0 : i32
      %lt3A_62 = arith.cmpi slt, %select_n3A_56, %lt3A_61 : i32
      %ne3A_63 = arith.xori %lt3A_60, %lt3A_62 : i1
      %and3A_64 = arith.andi %ne3A_63, %ne3A_59 : i1
      %add3A_65 = arith.addi %rem3A_57, %select_n3A_56 : i32
      %select_n3A_66 = arith.select %and3A_64, %add3A_65, %rem3A_57 : i32
      %mul3A_67 = arith.constant 16 : i32
      %mul3A_68 = arith.muli %select_n3A_66, %mul3A_67 : i32
      %swap3A = arith.index_cast %select_n3A : i32 to index
      %swap3A_69 = arith.index_cast %mul3A_68 : i32 to index
      %swap3A_70 = tpu.vector_load %arg9[%swap3A, %swap3A_69] {strides = array<i32>} : memref<80x128xf32, #tpu.memory_space<vmem>>, vector<1x16xf32>,
      %swap3A_71 = vector.shape_cast %swap3A_70 : vector<1x16xf32> to vector<16xf32>
      %swap3A_72 = vector.shape_cast %broadcast_in_dim3A_1 : vector<16xf32> to vector<1x16xf32>
      tpu.vector_store %arg9[%swap3A, %swap3A_69], %swap3A_72 {strides = array<i32>} : memref<80x128xf32, #tpu.memory_space<vmem>>, vector<1x16xf32>,
      %scan3A_73 = arith.constant 0 : i32
      scf.yield %scan3A_73 : i32
    }
    %scan3A_7 = arith.constant 64 : i32
    %mul3A_8 = arith.constant 632 : i32
    %mul3A_9 = arith.muli %arg1, %mul3A_8 : i32
    %scan3A_10 = arith.constant 0 : i32
    %scan3A_11 = arith.constant 0 : i32
    %scan3A_12 = arith.constant 79 : i32
    %scan3A_13 = arith.addi %scan3A_11, %scan3A_12 : i32
    %scan3A_14 = arith.constant 1 : i32
    %scan3A_15 = scf.for %scan3A_35 = %scan3A_11 to %scan3A_13 step %scan3A_14 iter_args(%scan3A_36 = %scan3A_10) -> (i32)  : i32 {
      %mul3A_37 = arith.constant 8 : i32
      %mul3A_38 = arith.muli %scan3A_35, %mul3A_37 : i32
      %add3A_39 = arith.addi %mul3A_9, %mul3A_38 : i32
      "tpu.region"() ({
        %run_scoped3A = tpu.sem_alloc : memref<!tpu.dma_semaphore, #tpu.memory_space<semaphore_mem>>
        %dma_start3A_41 = arith.constant 0 : i32
        %dma_start3A_42 = arith.constant 0 : i32
        %dma_start3A_43 = tpu.memref_slice %arg9[%dma_start3A_41, %dma_start3A_42] : memref<80x128xf32, #tpu.memory_space<vmem>> -> memref<8x128xf32, #tpu.memory_space<vmem>>
        %dma_start3A_44 = arith.constant 0 : i32
        %dma_start3A_45 = tpu.memref_slice %arg6[%add3A_39, %dma_start3A_44] : memref<10112x128xf32, #tpu.memory_space<vmem_shared>> -> memref<8x128xf32, #tpu.memory_space<vmem_shared>>
        %dma_start3A_46 = arith.constant 0 : i32
        %dma_start3A_47 = tpu.memref_slice %arg6[%add3A_39, %dma_start3A_46] : memref<10112x128xf32, #tpu.memory_space<vmem_shared>> -> memref<8x128xf32, #tpu.memory_space<vmem_shared>>
        %dma_start3A_48 = arith.constant 0 : i32
        %dma_start3A_49 = arith.constant 0 : i32
        %dma_start3A_50 = tpu.memref_slice %arg9[%dma_start3A_48, %dma_start3A_49] : memref<80x128xf32, #tpu.memory_space<vmem>> -> memref<8x128xf32, #tpu.memory_space<vmem>>
        tpu.enqueue_dma source(%dma_start3A_50 : memref<8x128xf32, #tpu.memory_space<vmem>>) target(%dma_start3A_47 : memref<8x128xf32, #tpu.memory_space<vmem_shared>>) target_semaphore(%run_scoped3A : memref<!tpu.dma_semaphore, #tpu.memory_space<semaphore_mem>>)
        %dma_wait3A_51 = arith.constant 0 : i32
        %dma_wait3A_52 = arith.constant 0 : i32
        %dma_wait3A_53 = tpu.memref_slice %arg9[%dma_wait3A_51, %dma_wait3A_52] : memref<80x128xf32, #tpu.memory_space<vmem>> -> memref<8x128xf32, #tpu.memory_space<vmem>>
        %dma_wait3A_54 = arith.constant 0 : i32
        %dma_wait3A_55 = tpu.memref_slice %arg6[%add3A_39, %dma_wait3A_54] : memref<10112x128xf32, #tpu.memory_space<vmem_shared>> -> memref<8x128xf32, #tpu.memory_space<vmem_shared>>
        %dma_wait3A_56 = arith.constant 0 : i32
        %dma_wait3A_57 = tpu.memref_slice %arg6[%add3A_39, %dma_wait3A_56] : memref<10112x128xf32, #tpu.memory_space<vmem_shared>> -> memref<8x128xf32, #tpu.memory_space<vmem_shared>>
        %dma_wait3A_58 = arith.constant 0 : i32
        %dma_wait3A_59 = arith.constant 0 : i32
        %dma_wait3A_60 = tpu.memref_slice %arg9[%dma_wait3A_58, %dma_wait3A_59] : memref<80x128xf32, #tpu.memory_space<vmem>> -> memref<8x128xf32, #tpu.memory_space<vmem>>
        tpu.wait_dma2 semaphore(%run_scoped3A : memref<!tpu.dma_semaphore, #tpu.memory_space<semaphore_mem>>) src(%dma_wait3A_60 : memref<8x128xf32, #tpu.memory_space<vmem>>) dst(%dma_wait3A_57 : memref<8x128xf32, #tpu.memory_space<vmem_shared>>)
        tpu.yield
      }) : () -> ()
      %scan3A_40 = arith.constant 0 : i32
      scf.yield %scan3A_40 : i32
    }
    %scan3A_16 = arith.constant 79 : i32
    %barrier3A = arith.constant 0 : index
    tpu.barrier barrier_id(%barrier3A)
    %mul3A_17 = arith.constant 125 : i32
    %mul3A_18 = arith.muli %add3A, %mul3A_17 : i32
    %add3A_19 = arith.constant 0 : i32
    %add3A_20 = arith.addi %mul3A_18, %add3A_19 : i32
    %mul3A_21 = arith.constant 80 : i32
    %mul3A_22 = arith.muli %add3A_20, %mul3A_21 : i32
    "tpu.region"() ({
      %run_scoped3A = tpu.sem_alloc : memref<!tpu.dma_semaphore, #tpu.memory_space<semaphore_mem>>
      %dma_start3A_35 = tpu.memref_slice %arg3[%mul3A_22] : memref<320000xi32, #tpu.memory_space<hbm>> -> memref<80xi32, #tpu.memory_space<hbm>>
      %dma_start3A_36 = tpu.memref_slice %arg3[%mul3A_22] : memref<320000xi32, #tpu.memory_space<hbm>> -> memref<80xi32, #tpu.memory_space<hbm>>
      tpu.enqueue_dma source(%dma_start3A_36 : memref<80xi32, #tpu.memory_space<hbm>>) target(%arg13 : memref<80xi32, #tpu.memory_space<vmem>>) target_semaphore(%run_scoped3A : memref<!tpu.dma_semaphore, #tpu.memory_space<semaphore_mem>>)
      %dma_wait3A_37 = tpu.memref_slice %arg3[%mul3A_22] : memref<320000xi32, #tpu.memory_space<hbm>> -> memref<80xi32, #tpu.memory_space<hbm>>
      %dma_wait3A_38 = tpu.memref_slice %arg3[%mul3A_22] : memref<320000xi32, #tpu.memory_space<hbm>> -> memref<80xi32, #tpu.memory_space<hbm>>
      tpu.wait_dma2 semaphore(%run_scoped3A : memref<!tpu.dma_semaphore, #tpu.memory_space<semaphore_mem>>) src(%dma_wait3A_38 : memref<80xi32, #tpu.memory_space<hbm>>) dst(%arg13 : memref<80xi32, #tpu.memory_space<vmem>>)
      tpu.yield
    }) : () -> ()
    "tpu.region"() ({
      %run_scoped3A = tpu.sem_alloc : memref<!tpu.dma_semaphore, #tpu.memory_space<semaphore_mem>>
      %dma_start3A_35 = tpu.memref_slice %arg4[%mul3A_22] : memref<320000xi32, #tpu.memory_space<hbm>> -> memref<80xi32, #tpu.memory_space<hbm>>
      %dma_start3A_36 = tpu.memref_slice %arg4[%mul3A_22] : memref<320000xi32, #tpu.memory_space<hbm>> -> memref<80xi32, #tpu.memory_space<hbm>>
      tpu.enqueue_dma source(%dma_start3A_36 : memref<80xi32, #tpu.memory_space<hbm>>) target(%arg7 : memref<80xi32, #tpu.memory_space<vmem>>) target_semaphore(%run_scoped3A : memref<!tpu.dma_semaphore, #tpu.memory_space<semaphore_mem>>)
      %dma_wait3A_37 = tpu.memref_slice %arg4[%mul3A_22] : memref<320000xi32, #tpu.memory_space<hbm>> -> memref<80xi32, #tpu.memory_space<hbm>>
      %dma_wait3A_38 = tpu.memref_slice %arg4[%mul3A_22] : memref<320000xi32, #tpu.memory_space<hbm>> -> memref<80xi32, #tpu.memory_space<hbm>>
      tpu.wait_dma2 semaphore(%run_scoped3A : memref<!tpu.dma_semaphore, #tpu.memory_space<semaphore_mem>>) src(%dma_wait3A_38 : memref<80xi32, #tpu.memory_space<hbm>>) dst(%arg7 : memref<80xi32, #tpu.memory_space<vmem>>)
      tpu.yield
    }) : () -> ()
    %dma_start3A = arith.constant 0 : i32
    %dma_start3A_23 = arith.constant 0 : i32
    %dma_start3A_24 = tpu.memref_slice %arg2[%dma_start3A, %dma_start3A_23] : memref<10000x128xf32, #tpu.memory_space<hbm>> -> memref<10000x128xf32, #tpu.memory_space<hbm>>
    tpu.enqueue_indirect_dma source(%dma_start3A_24 : memref<10000x128xf32, #tpu.memory_space<hbm>>) target(%arg9 : memref<80x128xf32, #tpu.memory_space<vmem>>) offsets(%arg13 : memref<80xi32, #tpu.memory_space<vmem>>) semaphore(%arg11 : memref<!tpu.dma_semaphore, #tpu.memory_space<semaphore_mem>>)
    %scan3A_25 = arith.constant 0 : i32
    %scan3A_26 = arith.constant 0 : i32
    %scan3A_27 = arith.constant 62 : i32
    %scan3A_28 = arith.addi %scan3A_26, %scan3A_27 : i32
    %scan3A_29 = arith.constant 1 : i32
    %scan3A_30 = scf.for %scan3A_35 = %scan3A_26 to %scan3A_28 step %scan3A_29 iter_args(%scan3A_36 = %scan3A_25) -> (i32)  : i32 {
      %mul3A_37 = arith.constant 2 : i32
      %mul3A_38 = arith.muli %mul3A_37, %scan3A_35 : i32
      %add3A_39 = arith.constant 1 : i32
      %add3A_40 = arith.addi %mul3A_38, %add3A_39 : i32
      %add3A_41 = arith.addi %mul3A_18, %add3A_40 : i32
      %mul3A_42 = arith.constant 80 : i32
      %mul3A_43 = arith.muli %add3A_41, %mul3A_42 : i32
      "tpu.region"() ({
        %run_scoped3A = tpu.sem_alloc : memref<!tpu.dma_semaphore, #tpu.memory_space<semaphore_mem>>
        %dma_start3A_58 = tpu.memref_slice %arg3[%mul3A_43] : memref<320000xi32, #tpu.memory_space<hbm>> -> memref<80xi32, #tpu.memory_space<hbm>>
        %dma_start3A_59 = tpu.memref_slice %arg3[%mul3A_43] : memref<320000xi32, #tpu.memory_space<hbm>> -> memref<80xi32, #tpu.memory_space<hbm>>
        tpu.enqueue_dma source(%dma_start3A_59 : memref<80xi32, #tpu.memory_space<hbm>>) target(%arg14 : memref<80xi32, #tpu.memory_space<vmem>>) target_semaphore(%run_scoped3A : memref<!tpu.dma_semaphore, #tpu.memory_space<semaphore_mem>>)
        %dma_wait3A_60 = tpu.memref_slice %arg3[%mul3A_43] : memref<320000xi32, #tpu.memory_space<hbm>> -> memref<80xi32, #tpu.memory_space<hbm>>
        %dma_wait3A_61 = tpu.memref_slice %arg3[%mul3A_43] : memref<320000xi32, #tpu.memory_space<hbm>> -> memref<80xi32, #tpu.memory_space<hbm>>
        tpu.wait_dma2 semaphore(%run_scoped3A : memref<!tpu.dma_semaphore, #tpu.memory_space<semaphore_mem>>) src(%dma_wait3A_61 : memref<80xi32, #tpu.memory_space<hbm>>) dst(%arg14 : memref<80xi32, #tpu.memory_space<vmem>>)
        tpu.yield
      }) : () -> ()
      "tpu.region"() ({
        %run_scoped3A = tpu.sem_alloc : memref<!tpu.dma_semaphore, #tpu.memory_space<semaphore_mem>>
        %dma_start3A_58 = tpu.memref_slice %arg4[%mul3A_43] : memref<320000xi32, #tpu.memory_space<hbm>> -> memref<80xi32, #tpu.memory_space<hbm>>
        %dma_start3A_59 = tpu.memref_slice %arg4[%mul3A_43] : memref<320000xi32, #tpu.memory_space<hbm>> -> memref<80xi32, #tpu.memory_space<hbm>>
        tpu.enqueue_dma source(%dma_start3A_59 : memref<80xi32, #tpu.memory_space<hbm>>) target(%arg8 : memref<80xi32, #tpu.memory_space<vmem>>) target_semaphore(%run_scoped3A : memref<!tpu.dma_semaphore, #tpu.memory_space<semaphore_mem>>)
        %dma_wait3A_60 = tpu.memref_slice %arg4[%mul3A_43] : memref<320000xi32, #tpu.memory_space<hbm>> -> memref<80xi32, #tpu.memory_space<hbm>>
        %dma_wait3A_61 = tpu.memref_slice %arg4[%mul3A_43] : memref<320000xi32, #tpu.memory_space<hbm>> -> memref<80xi32, #tpu.memory_space<hbm>>
        tpu.wait_dma2 semaphore(%run_scoped3A : memref<!tpu.dma_semaphore, #tpu.memory_space<semaphore_mem>>) src(%dma_wait3A_61 : memref<80xi32, #tpu.memory_space<hbm>>) dst(%arg8 : memref<80xi32, #tpu.memory_space<vmem>>)
        tpu.yield
      }) : () -> ()
      %dma_start3A_44 = arith.constant 0 : i32
      %dma_start3A_45 = arith.constant 0 : i32
      %dma_start3A_46 = tpu.memref_slice %arg2[%dma_start3A_44, %dma_start3A_45] : memref<10000x128xf32, #tpu.memory_space<hbm>> -> memref<10000x128xf32, #tpu.memory_space<hbm>>
      tpu.enqueue_indirect_dma source(%dma_start3A_46 : memref<10000x128xf32, #tpu.memory_space<hbm>>) target(%arg10 : memref<80x128xf32, #tpu.memory_space<vmem>>) offsets(%arg14 : memref<80xi32, #tpu.memory_space<vmem>>) semaphore(%arg12 : memref<!tpu.dma_semaphore, #tpu.memory_space<semaphore_mem>>)
      %dma_wait3A_47 = arith.constant 0 : i32
      %dma_wait3A_48 = arith.constant 0 : i32
      %dma_wait3A_49 = tpu.memref_slice %arg2[%dma_wait3A_47, %dma_wait3A_48] : memref<10000x128xf32, #tpu.memory_space<hbm>> -> memref<10000x128xf32, #tpu.memory_space<hbm>>
      tpu.wait_indirect_dma semaphore(%arg11 : memref<!tpu.dma_semaphore, #tpu.memory_space<semaphore_mem>>) src(%dma_wait3A_49 : memref<10000x128xf32, #tpu.memory_space<hbm>>) dst(%arg9 : memref<80x128xf32, #tpu.memory_space<vmem>>)
      "tpu.region"() ({
        %run_scoped3A = tpu.sem_alloc : memref<!tpu.dma_semaphore, #tpu.memory_space<semaphore_mem>>
        %dma_start3A_58 = arith.constant 0 : i32
        %dma_start3A_59 = arith.constant 0 : i32
        %dma_start3A_60 = tpu.memref_slice %arg6[%dma_start3A_58, %dma_start3A_59] : memref<10112x128xf32, #tpu.memory_space<vmem_shared>> -> memref<10112x128xf32, #tpu.memory_space<vmem_shared>>
        tpu.enqueue_indirect_dma source(%arg9 : memref<80x128xf32, #tpu.memory_space<vmem>>) target(%dma_start3A_60 : memref<10112x128xf32, #tpu.memory_space<vmem_shared>>) offsets(%arg7 : memref<80xi32, #tpu.memory_space<vmem>>) semaphore(%run_scoped3A : memref<!tpu.dma_semaphore, #tpu.memory_space<semaphore_mem>>) {add = true}
        %dma_wait3A_61 = arith.constant 0 : i32
        %dma_wait3A_62 = arith.constant 0 : i32
        %dma_wait3A_63 = tpu.memref_slice %arg6[%dma_wait3A_61, %dma_wait3A_62] : memref<10112x128xf32, #tpu.memory_space<vmem_shared>> -> memref<10112x128xf32, #tpu.memory_space<vmem_shared>>
        tpu.wait_indirect_dma semaphore(%run_scoped3A : memref<!tpu.dma_semaphore, #tpu.memory_space<semaphore_mem>>) src(%arg9 : memref<80x128xf32, #tpu.memory_space<vmem>>) dst(%dma_wait3A_63 : memref<10112x128xf32, #tpu.memory_space<vmem_shared>>)
        tpu.yield
      }) : () -> ()
      %add3A_50 = arith.constant 2 : i32
      %add3A_51 = arith.addi %mul3A_38, %add3A_50 : i32
      %lt3A = arith.constant 125 : i32
      %lt3A_52 = arith.cmpi slt, %add3A_51, %lt3A : i32
      %convert_element_type3A = arith.extui %lt3A_52 : i1 to i32
      %cond3A = arith.constant 0 : i32
      %cond3A_53 = arith.cmpi ne, %convert_element_type3A, %cond3A : i32
      scf.if %cond3A_53 {
        %add3A_58 = arith.constant 2 : i32
        %add3A_59 = arith.addi %mul3A_38, %add3A_58 : i32
        %add3A_60 = arith.addi %mul3A_18, %add3A_59 : i32
        %mul3A_61 = arith.constant 80 : i32
        %mul3A_62 = arith.muli %add3A_60, %mul3A_61 : i32
        "tpu.region"() ({
          %run_scoped3A = tpu.sem_alloc : memref<!tpu.dma_semaphore, #tpu.memory_space<semaphore_mem>>
          %dma_start3A_66 = tpu.memref_slice %arg3[%mul3A_62] : memref<320000xi32, #tpu.memory_space<hbm>> -> memref<80xi32, #tpu.memory_space<hbm>>
          %dma_start3A_67 = tpu.memref_slice %arg3[%mul3A_62] : memref<320000xi32, #tpu.memory_space<hbm>> -> memref<80xi32, #tpu.memory_space<hbm>>
          tpu.enqueue_dma source(%dma_start3A_67 : memref<80xi32, #tpu.memory_space<hbm>>) target(%arg13 : memref<80xi32, #tpu.memory_space<vmem>>) target_semaphore(%run_scoped3A : memref<!tpu.dma_semaphore, #tpu.memory_space<semaphore_mem>>)
          %dma_wait3A_68 = tpu.memref_slice %arg3[%mul3A_62] : memref<320000xi32, #tpu.memory_space<hbm>> -> memref<80xi32, #tpu.memory_space<hbm>>
          %dma_wait3A_69 = tpu.memref_slice %arg3[%mul3A_62] : memref<320000xi32, #tpu.memory_space<hbm>> -> memref<80xi32, #tpu.memory_space<hbm>>
          tpu.wait_dma2 semaphore(%run_scoped3A : memref<!tpu.dma_semaphore, #tpu.memory_space<semaphore_mem>>) src(%dma_wait3A_69 : memref<80xi32, #tpu.memory_space<hbm>>) dst(%arg13 : memref<80xi32, #tpu.memory_space<vmem>>)
          tpu.yield
        }) : () -> ()
        "tpu.region"() ({
          %run_scoped3A = tpu.sem_alloc : memref<!tpu.dma_semaphore, #tpu.memory_space<semaphore_mem>>
          %dma_start3A_66 = tpu.memref_slice %arg4[%mul3A_62] : memref<320000xi32, #tpu.memory_space<hbm>> -> memref<80xi32, #tpu.memory_space<hbm>>
          %dma_start3A_67 = tpu.memref_slice %arg4[%mul3A_62] : memref<320000xi32, #tpu.memory_space<hbm>> -> memref<80xi32, #tpu.memory_space<hbm>>
          tpu.enqueue_dma source(%dma_start3A_67 : memref<80xi32, #tpu.memory_space<hbm>>) target(%arg7 : memref<80xi32, #tpu.memory_space<vmem>>) target_semaphore(%run_scoped3A : memref<!tpu.dma_semaphore, #tpu.memory_space<semaphore_mem>>)
          %dma_wait3A_68 = tpu.memref_slice %arg4[%mul3A_62] : memref<320000xi32, #tpu.memory_space<hbm>> -> memref<80xi32, #tpu.memory_space<hbm>>
          %dma_wait3A_69 = tpu.memref_slice %arg4[%mul3A_62] : memref<320000xi32, #tpu.memory_space<hbm>> -> memref<80xi32, #tpu.memory_space<hbm>>
          tpu.wait_dma2 semaphore(%run_scoped3A : memref<!tpu.dma_semaphore, #tpu.memory_space<semaphore_mem>>) src(%dma_wait3A_69 : memref<80xi32, #tpu.memory_space<hbm>>) dst(%arg7 : memref<80xi32, #tpu.memory_space<vmem>>)
          tpu.yield
        }) : () -> ()
        %dma_start3A_63 = arith.constant 0 : i32
        %dma_start3A_64 = arith.constant 0 : i32
        %dma_start3A_65 = tpu.memref_slice %arg2[%dma_start3A_63, %dma_start3A_64] : memref<10000x128xf32, #tpu.memory_space<hbm>> -> memref<10000x128xf32, #tpu.memory_space<hbm>>
        tpu.enqueue_indirect_dma source(%dma_start3A_65 : memref<10000x128xf32, #tpu.memory_space<hbm>>) target(%arg9 : memref<80x128xf32, #tpu.memory_space<vmem>>) offsets(%arg13 : memref<80xi32, #tpu.memory_space<vmem>>) semaphore(%arg11 : memref<!tpu.dma_semaphore, #tpu.memory_space<semaphore_mem>>)
      } else {
      }
      %dma_wait3A_54 = arith.constant 0 : i32
      %dma_wait3A_55 = arith.constant 0 : i32
      %dma_wait3A_56 = tpu.memref_slice %arg2[%dma_wait3A_54, %dma_wait3A_55] : memref<10000x128xf32, #tpu.memory_space<hbm>> -> memref<10000x128xf32, #tpu.memory_space<hbm>>
      tpu.wait_indirect_dma semaphore(%arg12 : memref<!tpu.dma_semaphore, #tpu.memory_space<semaphore_mem>>) src(%dma_wait3A_56 : memref<10000x128xf32, #tpu.memory_space<hbm>>) dst(%arg10 : memref<80x128xf32, #tpu.memory_space<vmem>>)
      "tpu.region"() ({
        %run_scoped3A = tpu.sem_alloc : memref<!tpu.dma_semaphore, #tpu.memory_space<semaphore_mem>>
        %dma_start3A_58 = arith.constant 0 : i32
        %dma_start3A_59 = arith.constant 0 : i32
        %dma_start3A_60 = tpu.memref_slice %arg6[%dma_start3A_58, %dma_start3A_59] : memref<10112x128xf32, #tpu.memory_space<vmem_shared>> -> memref<10112x128xf32, #tpu.memory_space<vmem_shared>>
        tpu.enqueue_indirect_dma source(%arg10 : memref<80x128xf32, #tpu.memory_space<vmem>>) target(%dma_start3A_60 : memref<10112x128xf32, #tpu.memory_space<vmem_shared>>) offsets(%arg8 : memref<80xi32, #tpu.memory_space<vmem>>) semaphore(%run_scoped3A : memref<!tpu.dma_semaphore, #tpu.memory_space<semaphore_mem>>) {add = true}
        %dma_wait3A_61 = arith.constant 0 : i32
        %dma_wait3A_62 = arith.constant 0 : i32
        %dma_wait3A_63 = tpu.memref_slice %arg6[%dma_wait3A_61, %dma_wait3A_62] : memref<10112x128xf32, #tpu.memory_space<vmem_shared>> -> memref<10112x128xf32, #tpu.memory_space<vmem_shared>>
        tpu.wait_indirect_dma semaphore(%run_scoped3A : memref<!tpu.dma_semaphore, #tpu.memory_space<semaphore_mem>>) src(%arg10 : memref<80x128xf32, #tpu.memory_space<vmem>>) dst(%dma_wait3A_63 : memref<10112x128xf32, #tpu.memory_space<vmem_shared>>)
        tpu.yield
      }) : () -> ()
      %scan3A_57 = arith.constant 0 : i32
      scf.yield %scan3A_57 : i32
    }
    %scan3A_31 = arith.constant 62 : i32
    %dma_wait3A = arith.constant 0 : i32
    %dma_wait3A_32 = arith.constant 0 : i32
    %dma_wait3A_33 = tpu.memref_slice %arg2[%dma_wait3A, %dma_wait3A_32] : memref<10000x128xf32, #tpu.memory_space<hbm>> -> memref<10000x128xf32, #tpu.memory_space<hbm>>
    tpu.wait_indirect_dma semaphore(%arg11 : memref<!tpu.dma_semaphore, #tpu.memory_space<semaphore_mem>>) src(%dma_wait3A_33 : memref<10000x128xf32, #tpu.memory_space<hbm>>) dst(%arg9 : memref<80x128xf32, #tpu.memory_space<vmem>>)
    "tpu.region"() ({
      %run_scoped3A = tpu.sem_alloc : memref<!tpu.dma_semaphore, #tpu.memory_space<semaphore_mem>>
      %dma_start3A_35 = arith.constant 0 : i32
      %dma_start3A_36 = arith.constant 0 : i32
      %dma_start3A_37 = tpu.memref_slice %arg6[%dma_start3A_35, %dma_start3A_36] : memref<10112x128xf32, #tpu.memory_space<vmem_shared>> -> memref<10112x128xf32, #tpu.memory_space<vmem_shared>>
      tpu.enqueue_indirect_dma source(%arg9 : memref<80x128xf32, #tpu.memory_space<vmem>>) target(%dma_start3A_37 : memref<10112x128xf32, #tpu.memory_space<vmem_shared>>) offsets(%arg7 : memref<80xi32, #tpu.memory_space<vmem>>) semaphore(%run_scoped3A : memref<!tpu.dma_semaphore, #tpu.memory_space<semaphore_mem>>) {add = true}
      %dma_wait3A_38 = arith.constant 0 : i32
      %dma_wait3A_39 = arith.constant 0 : i32
      %dma_wait3A_40 = tpu.memref_slice %arg6[%dma_wait3A_38, %dma_wait3A_39] : memref<10112x128xf32, #tpu.memory_space<vmem_shared>> -> memref<10112x128xf32, #tpu.memory_space<vmem_shared>>
      tpu.wait_indirect_dma semaphore(%run_scoped3A : memref<!tpu.dma_semaphore, #tpu.memory_space<semaphore_mem>>) src(%arg9 : memref<80x128xf32, #tpu.memory_space<vmem>>) dst(%dma_wait3A_40 : memref<10112x128xf32, #tpu.memory_space<vmem_shared>>)
      tpu.yield
    }) : () -> ()
    %barrier3A_34 = arith.constant 0 : index
    tpu.barrier barrier_id(%barrier3A_34)
    "tpu.region"() ({
      %run_scoped3A = tpu.sem_alloc : memref<!tpu.dma_semaphore, #tpu.memory_space<semaphore_mem>>
      %dma_start3A_35 = arith.constant 0 : i32
      %dma_start3A_36 = tpu.memref_slice %arg5[%arg0, %mul3A_9, %dma_start3A_35] : memref<2x10112x128xf32, #tpu.memory_space<hbm>> -> memref<1x632x128xf32, #tpu.memory_space<hbm>>
      %dma_start3A_37 = tpu.memref_squeeze %dma_start3A_36 : memref<1x632x128xf32, #tpu.memory_space<hbm>> -> memref<632x128xf32, #tpu.memory_space<hbm>>
      %dma_start3A_38 = arith.constant 0 : i32
      %dma_start3A_39 = tpu.memref_slice %arg6[%mul3A_9, %dma_start3A_38] : memref<10112x128xf32, #tpu.memory_space<vmem_shared>> -> memref<632x128xf32, #tpu.memory_space<vmem_shared>>
      tpu.enqueue_dma source(%dma_start3A_39 : memref<632x128xf32, #tpu.memory_space<vmem_shared>>) target(%dma_start3A_37 : memref<632x128xf32, #tpu.memory_space<hbm>>) target_semaphore(%run_scoped3A : memref<!tpu.dma_semaphore, #tpu.memory_space<semaphore_mem>>)
      %dma_wait3A_40 = arith.constant 0 : i32
      %dma_wait3A_41 = tpu.memref_slice %arg5[%arg0, %mul3A_9, %dma_wait3A_40] : memref<2x10112x128xf32, #tpu.memory_space<hbm>> -> memref<1x632x128xf32, #tpu.memory_space<hbm>>
      %dma_wait3A_42 = tpu.memref_squeeze %dma_wait3A_41 : memref<1x632x128xf32, #tpu.memory_space<hbm>> -> memref<632x128xf32, #tpu.memory_space<hbm>>
      %dma_wait3A_43 = arith.constant 0 : i32
      %dma_wait3A_44 = tpu.memref_slice %arg6[%mul3A_9, %dma_wait3A_43] : memref<10112x128xf32, #tpu.memory_space<vmem_shared>> -> memref<632x128xf32, #tpu.memory_space<vmem_shared>>
      tpu.wait_dma2 semaphore(%run_scoped3A : memref<!tpu.dma_semaphore, #tpu.memory_space<semaphore_mem>>) src(%dma_wait3A_44 : memref<632x128xf32, #tpu.memory_space<vmem_shared>>) dst(%dma_wait3A_42 : memref<632x128xf32, #tpu.memory_space<hbm>>)
      tpu.yield
    }) : () -> ()
    return
  }
}

#map = affine_map<(d0, d1) -> (0)>
#map1 = affine_map<(d0, d1) -> (0, 0, 0)>
module attributes {stable_mosaic.version = 14 : i64} {
  func.func @k(%arg0: i32, %arg1: i32, %arg2: memref<320000xi32, #tpu.memory_space<hbm>>, %arg3: memref<2x10112x128xf32, #tpu.memory_space<hbm>>, %arg4: memref<10112x128xf32, #tpu.memory_space<vmem_shared>>, %arg5: memref<80xi32, #tpu.memory_space<vmem>>, %arg6: memref<80xi32, #tpu.memory_space<vmem>>, %arg7: memref<80x128xf32, #tpu.memory_space<vmem>>, %arg8: memref<!tpu.dma_semaphore, #tpu.memory_space<semaphore_mem>>, %arg9: memref<!tpu.dma_semaphore, #tpu.memory_space<semaphore_mem>>, %arg10: memref<8x128xf32, #tpu.memory_space<vmem>>) attributes {dimension_semantics = [#tpu.dimension_semantics<core_parallel>, #tpu.dimension_semantics<subcore_parallel>], iteration_bounds = array<i64: 2, 16>, scalar_prefetch = 0 : i64, scratch_operands = 7 : i64, tpu.core_type = #tpu.core_type<sc_vector_subcore>, window_params = [{transform_indices = #map}, {transform_indices = #map1}]} {
    %mul3A = arith.constant 16 : i32
    %mul3A_0 = arith.muli %arg0, %mul3A : i32
    %add3A = arith.addi %mul3A_0, %arg1 : i32
    %broadcast_in_dim3A = arith.constant 1.000000e+00 : f32
    %broadcast_in_dim3A_1 = vector.broadcast %broadcast_in_dim3A : f32 to vector<16xf32>
    %broadcast_in_dim3A_2 = arith.constant 0.000000e+00 : f32
    %broadcast_in_dim3A_3 = vector.broadcast %broadcast_in_dim3A_2 : f32 to vector<16xf32>
    %scan3A = arith.constant 0 : i32
    %scan3A_4 = arith.constant 0 : i32
    %scan3A_5 = arith.constant 640 : i32
    %scan3A_6 = arith.addi %scan3A_4, %scan3A_5 : i32
    %scan3A_7 = arith.constant 1 : i32
    %scan3A_8 = scf.for %scan3A_40 = %scan3A_4 to %scan3A_6 step %scan3A_7 iter_args(%scan3A_41 = %scan3A) -> (i32)  : i32 {
      %jit3A = arith.constant 8 : i32
      %div3A = arith.divsi %scan3A_40, %jit3A : i32
      %sign3A = arith.constant 0 : i32
      %sign3A_42 = arith.cmpi sgt, %scan3A_40, %sign3A : i32
      %sign3A_43 = arith.extui %sign3A_42 : i1 to i32
      %sign3A_44 = arith.constant 0 : i32
      %sign3A_45 = arith.cmpi slt, %scan3A_40, %sign3A_44 : i32
      %sign3A_46 = arith.extui %sign3A_45 : i1 to i32
      %sign3A_47 = arith.subi %sign3A_43, %sign3A_46 : i32
      %sign3A_48 = arith.constant 0 : i32
      %sign3A_49 = arith.cmpi sgt, %jit3A, %sign3A_48 : i32
      %sign3A_50 = arith.extui %sign3A_49 : i1 to i32
      %sign3A_51 = arith.constant 0 : i32
      %sign3A_52 = arith.cmpi slt, %jit3A, %sign3A_51 : i32
      %sign3A_53 = arith.extui %sign3A_52 : i1 to i32
      %sign3A_54 = arith.subi %sign3A_50, %sign3A_53 : i32
      %ne3A = arith.cmpi ne, %sign3A_47, %sign3A_54 : i32
      %rem3A = arith.remsi %scan3A_40, %jit3A : i32
      %ne3A_55 = arith.constant 0 : i32
      %ne3A_56 = arith.cmpi ne, %rem3A, %ne3A_55 : i32
      %and3A = arith.andi %ne3A, %ne3A_56 : i1
      %sub3A = arith.constant 1 : i32
      %sub3A_57 = arith.subi %div3A, %sub3A : i32
      %select_n3A = arith.select %and3A, %sub3A_57, %div3A : i32
      %jit3A_58 = arith.constant 8 : i32
      %eq3A = arith.constant 0 : i32
      %eq3A_59 = arith.cmpi eq, %jit3A_58, %eq3A : i32
      %jit3A_60 = arith.constant 1 : i32
      %select_n3A_61 = arith.select %eq3A_59, %jit3A_60, %jit3A_58 : i32
      %rem3A_62 = arith.remsi %scan3A_40, %select_n3A_61 : i32
      %ne3A_63 = arith.constant 0 : i32
      %ne3A_64 = arith.cmpi ne, %rem3A_62, %ne3A_63 : i32
      %lt3A = arith.constant 0 : i32
      %lt3A_65 = arith.cmpi slt, %rem3A_62, %lt3A : i32
      %lt3A_66 = arith.constant 0 : i32
      %lt3A_67 = arith.cmpi slt, %select_n3A_61, %lt3A_66 : i32
      %ne3A_68 = arith.xori %lt3A_65, %lt3A_67 : i1
      %and3A_69 = arith.andi %ne3A_68, %ne3A_64 : i1
      %add3A_70 = arith.addi %rem3A_62, %select_n3A_61 : i32
      %select_n3A_71 = arith.select %and3A_69, %add3A_70, %rem3A_62 : i32
      %mul3A_72 = arith.constant 16 : i32
      %mul3A_73 = arith.muli %select_n3A_71, %mul3A_72 : i32
      %swap3A = arith.index_cast %select_n3A : i32 to index
      %swap3A_74 = arith.index_cast %mul3A_73 : i32 to index
      %swap3A_75 = tpu.vector_load %arg7[%swap3A, %swap3A_74] {strides = array<i32>} : memref<80x128xf32, #tpu.memory_space<vmem>>, vector<1x16xf32>,
      %swap3A_76 = vector.shape_cast %swap3A_75 : vector<1x16xf32> to vector<16xf32>
      %swap3A_77 = vector.shape_cast %broadcast_in_dim3A_1 : vector<16xf32> to vector<1x16xf32>
      tpu.vector_store %arg7[%swap3A, %swap3A_74], %swap3A_77 {strides = array<i32>} : memref<80x128xf32, #tpu.memory_space<vmem>>, vector<1x16xf32>,
      %scan3A_78 = arith.constant 0 : i32
      scf.yield %scan3A_78 : i32
    }
    %scan3A_9 = arith.constant 640 : i32
    %scan3A_10 = arith.constant 0 : i32
    %scan3A_11 = arith.constant 0 : i32
    %scan3A_12 = arith.constant 64 : i32
    %scan3A_13 = arith.addi %scan3A_11, %scan3A_12 : i32
    %scan3A_14 = arith.constant 1 : i32
    %scan3A_15 = scf.for %scan3A_40 = %scan3A_11 to %scan3A_13 step %scan3A_14 iter_args(%scan3A_41 = %scan3A_10) -> (i32)  : i32 {
      %jit3A = arith.constant 8 : i32
      %div3A = arith.divsi %scan3A_40, %jit3A : i32
      %sign3A = arith.constant 0 : i32
      %sign3A_42 = arith.cmpi sgt, %scan3A_40, %sign3A : i32
      %sign3A_43 = arith.extui %sign3A_42 : i1 to i32
      %sign3A_44 = arith.constant 0 : i32
      %sign3A_45 = arith.cmpi slt, %scan3A_40, %sign3A_44 : i32
      %sign3A_46 = arith.extui %sign3A_45 : i1 to i32
      %sign3A_47 = arith.subi %sign3A_43, %sign3A_46 : i32
      %sign3A_48 = arith.constant 0 : i32
      %sign3A_49 = arith.cmpi sgt, %jit3A, %sign3A_48 : i32
      %sign3A_50 = arith.extui %sign3A_49 : i1 to i32
      %sign3A_51 = arith.constant 0 : i32
      %sign3A_52 = arith.cmpi slt, %jit3A, %sign3A_51 : i32
      %sign3A_53 = arith.extui %sign3A_52 : i1 to i32
      %sign3A_54 = arith.subi %sign3A_50, %sign3A_53 : i32
      %ne3A = arith.cmpi ne, %sign3A_47, %sign3A_54 : i32
      %rem3A = arith.remsi %scan3A_40, %jit3A : i32
      %ne3A_55 = arith.constant 0 : i32
      %ne3A_56 = arith.cmpi ne, %rem3A, %ne3A_55 : i32
      %and3A = arith.andi %ne3A, %ne3A_56 : i1
      %sub3A = arith.constant 1 : i32
      %sub3A_57 = arith.subi %div3A, %sub3A : i32
      %select_n3A = arith.select %and3A, %sub3A_57, %div3A : i32
      %jit3A_58 = arith.constant 8 : i32
      %eq3A = arith.constant 0 : i32
      %eq3A_59 = arith.cmpi eq, %jit3A_58, %eq3A : i32
      %jit3A_60 = arith.constant 1 : i32
      %select_n3A_61 = arith.select %eq3A_59, %jit3A_60, %jit3A_58 : i32
      %rem3A_62 = arith.remsi %scan3A_40, %select_n3A_61 : i32
      %ne3A_63 = arith.constant 0 : i32
      %ne3A_64 = arith.cmpi ne, %rem3A_62, %ne3A_63 : i32
      %lt3A = arith.constant 0 : i32
      %lt3A_65 = arith.cmpi slt, %rem3A_62, %lt3A : i32
      %lt3A_66 = arith.constant 0 : i32
      %lt3A_67 = arith.cmpi slt, %select_n3A_61, %lt3A_66 : i32
      %ne3A_68 = arith.xori %lt3A_65, %lt3A_67 : i1
      %and3A_69 = arith.andi %ne3A_68, %ne3A_64 : i1
      %add3A_70 = arith.addi %rem3A_62, %select_n3A_61 : i32
      %select_n3A_71 = arith.select %and3A_69, %add3A_70, %rem3A_62 : i32
      %mul3A_72 = arith.constant 16 : i32
      %mul3A_73 = arith.muli %select_n3A_71, %mul3A_72 : i32
      %swap3A = arith.index_cast %select_n3A : i32 to index
      %swap3A_74 = arith.index_cast %mul3A_73 : i32 to index
      %swap3A_75 = tpu.vector_load %arg10[%swap3A, %swap3A_74] {strides = array<i32>} : memref<8x128xf32, #tpu.memory_space<vmem>>, vector<1x16xf32>,
      %swap3A_76 = vector.shape_cast %swap3A_75 : vector<1x16xf32> to vector<16xf32>
      %swap3A_77 = vector.shape_cast %broadcast_in_dim3A_3 : vector<16xf32> to vector<1x16xf32>
      tpu.vector_store %arg10[%swap3A, %swap3A_74], %swap3A_77 {strides = array<i32>} : memref<8x128xf32, #tpu.memory_space<vmem>>, vector<1x16xf32>,
      %scan3A_78 = arith.constant 0 : i32
      scf.yield %scan3A_78 : i32
    }
    %scan3A_16 = arith.constant 64 : i32
    %mul3A_17 = arith.constant 632 : i32
    %mul3A_18 = arith.muli %arg1, %mul3A_17 : i32
    %scan3A_19 = arith.constant 0 : i32
    %scan3A_20 = arith.constant 0 : i32
    %scan3A_21 = arith.constant 79 : i32
    %scan3A_22 = arith.addi %scan3A_20, %scan3A_21 : i32
    %scan3A_23 = arith.constant 1 : i32
    %scan3A_24 = scf.for %scan3A_40 = %scan3A_20 to %scan3A_22 step %scan3A_23 iter_args(%scan3A_41 = %scan3A_19) -> (i32)  : i32 {
      %mul3A_42 = arith.constant 8 : i32
      %mul3A_43 = arith.muli %scan3A_40, %mul3A_42 : i32
      %add3A_44 = arith.addi %mul3A_18, %mul3A_43 : i32
      "tpu.region"() ({
        %run_scoped3A = tpu.sem_alloc : memref<!tpu.dma_semaphore, #tpu.memory_space<semaphore_mem>>
        %dma_start3A = arith.constant 0 : i32
        %dma_start3A_46 = tpu.memref_slice %arg4[%add3A_44, %dma_start3A] : memref<10112x128xf32, #tpu.memory_space<vmem_shared>> -> memref<8x128xf32, #tpu.memory_space<vmem_shared>>
        %dma_start3A_47 = arith.constant 0 : i32
        %dma_start3A_48 = tpu.memref_slice %arg4[%add3A_44, %dma_start3A_47] : memref<10112x128xf32, #tpu.memory_space<vmem_shared>> -> memref<8x128xf32, #tpu.memory_space<vmem_shared>>
        tpu.enqueue_dma source(%arg10 : memref<8x128xf32, #tpu.memory_space<vmem>>) target(%dma_start3A_48 : memref<8x128xf32, #tpu.memory_space<vmem_shared>>) target_semaphore(%run_scoped3A : memref<!tpu.dma_semaphore, #tpu.memory_space<semaphore_mem>>)
        %dma_wait3A = arith.constant 0 : i32
        %dma_wait3A_49 = tpu.memref_slice %arg4[%add3A_44, %dma_wait3A] : memref<10112x128xf32, #tpu.memory_space<vmem_shared>> -> memref<8x128xf32, #tpu.memory_space<vmem_shared>>
        %dma_wait3A_50 = arith.constant 0 : i32
        %dma_wait3A_51 = tpu.memref_slice %arg4[%add3A_44, %dma_wait3A_50] : memref<10112x128xf32, #tpu.memory_space<vmem_shared>> -> memref<8x128xf32, #tpu.memory_space<vmem_shared>>
        tpu.wait_dma2 semaphore(%run_scoped3A : memref<!tpu.dma_semaphore, #tpu.memory_space<semaphore_mem>>) src(%arg10 : memref<8x128xf32, #tpu.memory_space<vmem>>) dst(%dma_wait3A_51 : memref<8x128xf32, #tpu.memory_space<vmem_shared>>)
        tpu.yield
      }) : () -> ()
      %scan3A_45 = arith.constant 0 : i32
      scf.yield %scan3A_45 : i32
    }
    %scan3A_25 = arith.constant 79 : i32
    %barrier3A = arith.constant 0 : index
    tpu.barrier barrier_id(%barrier3A)
    %mul3A_26 = arith.constant 125 : i32
    %mul3A_27 = arith.muli %add3A, %mul3A_26 : i32
    %add3A_28 = arith.constant 0 : i32
    %add3A_29 = arith.addi %mul3A_27, %add3A_28 : i32
    %mul3A_30 = arith.constant 80 : i32
    %mul3A_31 = arith.muli %add3A_29, %mul3A_30 : i32
    "tpu.region"() ({
      %run_scoped3A = tpu.sem_alloc : memref<!tpu.dma_semaphore, #tpu.memory_space<semaphore_mem>>
      %dma_start3A = tpu.memref_slice %arg2[%mul3A_31] : memref<320000xi32, #tpu.memory_space<hbm>> -> memref<80xi32, #tpu.memory_space<hbm>>
      %dma_start3A_40 = tpu.memref_slice %arg2[%mul3A_31] : memref<320000xi32, #tpu.memory_space<hbm>> -> memref<80xi32, #tpu.memory_space<hbm>>
      tpu.enqueue_dma source(%dma_start3A_40 : memref<80xi32, #tpu.memory_space<hbm>>) target(%arg5 : memref<80xi32, #tpu.memory_space<vmem>>) target_semaphore(%run_scoped3A : memref<!tpu.dma_semaphore, #tpu.memory_space<semaphore_mem>>)
      %dma_wait3A = tpu.memref_slice %arg2[%mul3A_31] : memref<320000xi32, #tpu.memory_space<hbm>> -> memref<80xi32, #tpu.memory_space<hbm>>
      %dma_wait3A_41 = tpu.memref_slice %arg2[%mul3A_31] : memref<320000xi32, #tpu.memory_space<hbm>> -> memref<80xi32, #tpu.memory_space<hbm>>
      tpu.wait_dma2 semaphore(%run_scoped3A : memref<!tpu.dma_semaphore, #tpu.memory_space<semaphore_mem>>) src(%dma_wait3A_41 : memref<80xi32, #tpu.memory_space<hbm>>) dst(%arg5 : memref<80xi32, #tpu.memory_space<vmem>>)
      tpu.yield
    }) : () -> ()
    %scan3A_32 = arith.constant 0 : i32
    %scan3A_33 = arith.constant 0 : i32
    %scan3A_34 = arith.constant 62 : i32
    %scan3A_35 = arith.addi %scan3A_33, %scan3A_34 : i32
    %scan3A_36 = arith.constant 1 : i32
    %scan3A_37 = scf.for %scan3A_40 = %scan3A_33 to %scan3A_35 step %scan3A_36 iter_args(%scan3A_41 = %scan3A_32) -> (i32)  : i32 {
      %mul3A_42 = arith.constant 2 : i32
      %mul3A_43 = arith.muli %mul3A_42, %scan3A_40 : i32
      %dma_start3A = arith.constant 0 : i32
      %dma_start3A_44 = arith.constant 0 : i32
      %dma_start3A_45 = tpu.memref_slice %arg4[%dma_start3A, %dma_start3A_44] : memref<10112x128xf32, #tpu.memory_space<vmem_shared>> -> memref<10112x128xf32, #tpu.memory_space<vmem_shared>>
      tpu.enqueue_indirect_dma source(%arg7 : memref<80x128xf32, #tpu.memory_space<vmem>>) target(%dma_start3A_45 : memref<10112x128xf32, #tpu.memory_space<vmem_shared>>) offsets(%arg5 : memref<80xi32, #tpu.memory_space<vmem>>) semaphore(%arg8 : memref<!tpu.dma_semaphore, #tpu.memory_space<semaphore_mem>>) {add = true}
      %add3A_46 = arith.constant 1 : i32
      %add3A_47 = arith.addi %mul3A_43, %add3A_46 : i32
      %add3A_48 = arith.addi %mul3A_27, %add3A_47 : i32
      %mul3A_49 = arith.constant 80 : i32
      %mul3A_50 = arith.muli %add3A_48, %mul3A_49 : i32
      "tpu.region"() ({
        %run_scoped3A = tpu.sem_alloc : memref<!tpu.dma_semaphore, #tpu.memory_space<semaphore_mem>>
        %dma_start3A_64 = tpu.memref_slice %arg2[%mul3A_50] : memref<320000xi32, #tpu.memory_space<hbm>> -> memref<80xi32, #tpu.memory_space<hbm>>
        %dma_start3A_65 = tpu.memref_slice %arg2[%mul3A_50] : memref<320000xi32, #tpu.memory_space<hbm>> -> memref<80xi32, #tpu.memory_space<hbm>>
        tpu.enqueue_dma source(%dma_start3A_65 : memref<80xi32, #tpu.memory_space<hbm>>) target(%arg6 : memref<80xi32, #tpu.memory_space<vmem>>) target_semaphore(%run_scoped3A : memref<!tpu.dma_semaphore, #tpu.memory_space<semaphore_mem>>)
        %dma_wait3A_66 = tpu.memref_slice %arg2[%mul3A_50] : memref<320000xi32, #tpu.memory_space<hbm>> -> memref<80xi32, #tpu.memory_space<hbm>>
        %dma_wait3A_67 = tpu.memref_slice %arg2[%mul3A_50] : memref<320000xi32, #tpu.memory_space<hbm>> -> memref<80xi32, #tpu.memory_space<hbm>>
        tpu.wait_dma2 semaphore(%run_scoped3A : memref<!tpu.dma_semaphore, #tpu.memory_space<semaphore_mem>>) src(%dma_wait3A_67 : memref<80xi32, #tpu.memory_space<hbm>>) dst(%arg6 : memref<80xi32, #tpu.memory_space<vmem>>)
        tpu.yield
      }) : () -> ()
      %dma_wait3A = arith.constant 0 : i32
      %dma_wait3A_51 = arith.constant 0 : i32
      %dma_wait3A_52 = tpu.memref_slice %arg4[%dma_wait3A, %dma_wait3A_51] : memref<10112x128xf32, #tpu.memory_space<vmem_shared>> -> memref<10112x128xf32, #tpu.memory_space<vmem_shared>>
      tpu.wait_indirect_dma semaphore(%arg8 : memref<!tpu.dma_semaphore, #tpu.memory_space<semaphore_mem>>) src(%arg7 : memref<80x128xf32, #tpu.memory_space<vmem>>) dst(%dma_wait3A_52 : memref<10112x128xf32, #tpu.memory_space<vmem_shared>>)
      %dma_start3A_53 = arith.constant 0 : i32
      %dma_start3A_54 = arith.constant 0 : i32
      %dma_start3A_55 = tpu.memref_slice %arg4[%dma_start3A_53, %dma_start3A_54] : memref<10112x128xf32, #tpu.memory_space<vmem_shared>> -> memref<10112x128xf32, #tpu.memory_space<vmem_shared>>
      tpu.enqueue_indirect_dma source(%arg7 : memref<80x128xf32, #tpu.memory_space<vmem>>) target(%dma_start3A_55 : memref<10112x128xf32, #tpu.memory_space<vmem_shared>>) offsets(%arg6 : memref<80xi32, #tpu.memory_space<vmem>>) semaphore(%arg9 : memref<!tpu.dma_semaphore, #tpu.memory_space<semaphore_mem>>) {add = true}
      %add3A_56 = arith.constant 2 : i32
      %add3A_57 = arith.addi %mul3A_43, %add3A_56 : i32
      %lt3A = arith.constant 125 : i32
      %lt3A_58 = arith.cmpi slt, %add3A_57, %lt3A : i32
      %convert_element_type3A = arith.extui %lt3A_58 : i1 to i32
      %cond3A = arith.constant 0 : i32
      %cond3A_59 = arith.cmpi ne, %convert_element_type3A, %cond3A : i32
      scf.if %cond3A_59 {
        %add3A_64 = arith.constant 2 : i32
        %add3A_65 = arith.addi %mul3A_43, %add3A_64 : i32
        %add3A_66 = arith.addi %mul3A_27, %add3A_65 : i32
        %mul3A_67 = arith.constant 80 : i32
        %mul3A_68 = arith.muli %add3A_66, %mul3A_67 : i32
        "tpu.region"() ({
          %run_scoped3A = tpu.sem_alloc : memref<!tpu.dma_semaphore, #tpu.memory_space<semaphore_mem>>
          %dma_start3A_69 = tpu.memref_slice %arg2[%mul3A_68] : memref<320000xi32, #tpu.memory_space<hbm>> -> memref<80xi32, #tpu.memory_space<hbm>>
          %dma_start3A_70 = tpu.memref_slice %arg2[%mul3A_68] : memref<320000xi32, #tpu.memory_space<hbm>> -> memref<80xi32, #tpu.memory_space<hbm>>
          tpu.enqueue_dma source(%dma_start3A_70 : memref<80xi32, #tpu.memory_space<hbm>>) target(%arg5 : memref<80xi32, #tpu.memory_space<vmem>>) target_semaphore(%run_scoped3A : memref<!tpu.dma_semaphore, #tpu.memory_space<semaphore_mem>>)
          %dma_wait3A_71 = tpu.memref_slice %arg2[%mul3A_68] : memref<320000xi32, #tpu.memory_space<hbm>> -> memref<80xi32, #tpu.memory_space<hbm>>
          %dma_wait3A_72 = tpu.memref_slice %arg2[%mul3A_68] : memref<320000xi32, #tpu.memory_space<hbm>> -> memref<80xi32, #tpu.memory_space<hbm>>
          tpu.wait_dma2 semaphore(%run_scoped3A : memref<!tpu.dma_semaphore, #tpu.memory_space<semaphore_mem>>) src(%dma_wait3A_72 : memref<80xi32, #tpu.memory_space<hbm>>) dst(%arg5 : memref<80xi32, #tpu.memory_space<vmem>>)
          tpu.yield
        }) : () -> ()
      } else {
      }
      %dma_wait3A_60 = arith.constant 0 : i32
      %dma_wait3A_61 = arith.constant 0 : i32
      %dma_wait3A_62 = tpu.memref_slice %arg4[%dma_wait3A_60, %dma_wait3A_61] : memref<10112x128xf32, #tpu.memory_space<vmem_shared>> -> memref<10112x128xf32, #tpu.memory_space<vmem_shared>>
      tpu.wait_indirect_dma semaphore(%arg9 : memref<!tpu.dma_semaphore, #tpu.memory_space<semaphore_mem>>) src(%arg7 : memref<80x128xf32, #tpu.memory_space<vmem>>) dst(%dma_wait3A_62 : memref<10112x128xf32, #tpu.memory_space<vmem_shared>>)
      %scan3A_63 = arith.constant 0 : i32
      scf.yield %scan3A_63 : i32
    }
    %scan3A_38 = arith.constant 62 : i32
    "tpu.region"() ({
      %run_scoped3A = tpu.sem_alloc : memref<!tpu.dma_semaphore, #tpu.memory_space<semaphore_mem>>
      %dma_start3A = arith.constant 0 : i32
      %dma_start3A_40 = arith.constant 0 : i32
      %dma_start3A_41 = tpu.memref_slice %arg4[%dma_start3A, %dma_start3A_40] : memref<10112x128xf32, #tpu.memory_space<vmem_shared>> -> memref<10112x128xf32, #tpu.memory_space<vmem_shared>>
      tpu.enqueue_indirect_dma source(%arg7 : memref<80x128xf32, #tpu.memory_space<vmem>>) target(%dma_start3A_41 : memref<10112x128xf32, #tpu.memory_space<vmem_shared>>) offsets(%arg5 : memref<80xi32, #tpu.memory_space<vmem>>) semaphore(%run_scoped3A : memref<!tpu.dma_semaphore, #tpu.memory_space<semaphore_mem>>) {add = true}
      %dma_wait3A = arith.constant 0 : i32
      %dma_wait3A_42 = arith.constant 0 : i32
      %dma_wait3A_43 = tpu.memref_slice %arg4[%dma_wait3A, %dma_wait3A_42] : memref<10112x128xf32, #tpu.memory_space<vmem_shared>> -> memref<10112x128xf32, #tpu.memory_space<vmem_shared>>
      tpu.wait_indirect_dma semaphore(%run_scoped3A : memref<!tpu.dma_semaphore, #tpu.memory_space<semaphore_mem>>) src(%arg7 : memref<80x128xf32, #tpu.memory_space<vmem>>) dst(%dma_wait3A_43 : memref<10112x128xf32, #tpu.memory_space<vmem_shared>>)
      tpu.yield
    }) : () -> ()
    %barrier3A_39 = arith.constant 0 : index
    tpu.barrier barrier_id(%barrier3A_39)
    "tpu.region"() ({
      %run_scoped3A = tpu.sem_alloc : memref<!tpu.dma_semaphore, #tpu.memory_space<semaphore_mem>>
      %dma_start3A = arith.constant 0 : i32
      %dma_start3A_40 = tpu.memref_slice %arg3[%arg0, %mul3A_18, %dma_start3A] : memref<2x10112x128xf32, #tpu.memory_space<hbm>> -> memref<1x632x128xf32, #tpu.memory_space<hbm>>
      %dma_start3A_41 = tpu.memref_squeeze %dma_start3A_40 : memref<1x632x128xf32, #tpu.memory_space<hbm>> -> memref<632x128xf32, #tpu.memory_space<hbm>>
      %dma_start3A_42 = arith.constant 0 : i32
      %dma_start3A_43 = tpu.memref_slice %arg4[%mul3A_18, %dma_start3A_42] : memref<10112x128xf32, #tpu.memory_space<vmem_shared>> -> memref<632x128xf32, #tpu.memory_space<vmem_shared>>
      tpu.enqueue_dma source(%dma_start3A_43 : memref<632x128xf32, #tpu.memory_space<vmem_shared>>) target(%dma_start3A_41 : memref<632x128xf32, #tpu.memory_space<hbm>>) target_semaphore(%run_scoped3A : memref<!tpu.dma_semaphore, #tpu.memory_space<semaphore_mem>>)
      %dma_wait3A = arith.constant 0 : i32
      %dma_wait3A_44 = tpu.memref_slice %arg3[%arg0, %mul3A_18, %dma_wait3A] : memref<2x10112x128xf32, #tpu.memory_space<hbm>> -> memref<1x632x128xf32, #tpu.memory_space<hbm>>
      %dma_wait3A_45 = tpu.memref_squeeze %dma_wait3A_44 : memref<1x632x128xf32, #tpu.memory_space<hbm>> -> memref<632x128xf32, #tpu.memory_space<hbm>>
      %dma_wait3A_46 = arith.constant 0 : i32
      %dma_wait3A_47 = tpu.memref_slice %arg4[%mul3A_18, %dma_wait3A_46] : memref<10112x128xf32, #tpu.memory_space<vmem_shared>> -> memref<632x128xf32, #tpu.memory_space<vmem_shared>>
      tpu.wait_dma2 semaphore(%run_scoped3A : memref<!tpu.dma_semaphore, #tpu.memory_space<semaphore_mem>>) src(%dma_wait3A_47 : memref<632x128xf32, #tpu.memory_space<vmem_shared>>) dst(%dma_wait3A_45 : memref<632x128xf32, #tpu.memory_space<hbm>>)
      tpu.yield
    }) : () -> ()
    return
  }
}

module attributes {stable_mosaic.version = 14 : i64} {
  func.func @_tc_body(%arg0: i32, %arg1: memref<1000x128xf32, #tpu.memory_space<vmem>>, %arg2: memref<2x1000x128xf32, #tpu.memory_space<vmem>>, %arg3: memref<2x1000x128xf32, #tpu.memory_space<vmem>>, %arg4: memref<256x128xf32, #tpu.memory_space<vmem>>, %arg5: memref<1x128xf32, #tpu.memory_space<vmem>>, %arg6: memref<1000x128xf32, #tpu.memory_space<vmem>>) attributes {dimension_semantics = [#tpu.dimension_semantics<arbitrary>], iteration_bounds = array<i64: 10>, scalar_prefetch = 0 : i64, scratch_operands = 0 : i64, tpu.core_type = #tpu.core_type<tc>, window_params = [{transform_indices = @transform_0, window_bounds = array<i64: 1000, 128>}, {transform_indices = @transform_1, window_bounds = array<i64: 2, 1000, 128>}, {transform_indices = @transform_2, window_bounds = array<i64: 2, 1000, 128>}, {pipeline_mode = #tpu.pipeline_mode<synchronous>, transform_indices = @transform_3, window_bounds = array<i64: 256, 128>}, {pipeline_mode = #tpu.pipeline_mode<synchronous>, transform_indices = @transform_4, window_bounds = array<i64: 1, 128>}, {transform_indices = @transform_5, window_bounds = array<i64: 1000, 128>}]} {
    %get3A = arith.constant 0 : index
    %get3A_0 = arith.constant 0 : index
    %get3A_1 = arith.constant 0 : index
    %get3A_2 = vector.load %arg2[%get3A, %get3A_0, %get3A_1] : memref<2x1000x128xf32, #tpu.memory_space<vmem>>, vector<1x1000x128xf32>
    %get3A_3 = vector.shape_cast %get3A_2 : vector<1x1000x128xf32> to vector<1000x128xf32>
    %get3A_4 = arith.constant 1 : index
    %get3A_5 = arith.constant 0 : index
    %get3A_6 = arith.constant 0 : index
    %get3A_7 = vector.load %arg2[%get3A_4, %get3A_5, %get3A_6] : memref<2x1000x128xf32, #tpu.memory_space<vmem>>, vector<1x1000x128xf32>
    %get3A_8 = vector.shape_cast %get3A_7 : vector<1x1000x128xf32> to vector<1000x128xf32>
    %add3A = arith.addf %get3A_3, %get3A_8 : vector<1000x128xf32>
    %get3A_9 = arith.constant 0 : index
    %get3A_10 = arith.constant 0 : index
    %get3A_11 = arith.constant 0 : index
    %get3A_12 = vector.load %arg3[%get3A_9, %get3A_10, %get3A_11] : memref<2x1000x128xf32, #tpu.memory_space<vmem>>, vector<1x1000x1xf32>
    %get3A_13 = vector.shape_cast %get3A_12 : vector<1x1000x1xf32> to vector<1000x1xf32>
    %get3A_14 = arith.constant 1 : index
    %get3A_15 = arith.constant 0 : index
    %get3A_16 = arith.constant 0 : index
    %get3A_17 = vector.load %arg3[%get3A_14, %get3A_15, %get3A_16] : memref<2x1000x128xf32, #tpu.memory_space<vmem>>, vector<1x1000x1xf32>
    %get3A_18 = vector.shape_cast %get3A_17 : vector<1x1000x1xf32> to vector<1000x1xf32>
    %add3A_19 = arith.addf %get3A_13, %get3A_18 : vector<1000x1xf32>
    %max3A = arith.constant 1.000000e+00 : f32
    %max3A_20 = vector.broadcast %max3A : f32 to vector<1000x1xf32>
    %max3A_21 = arith.maximumf %add3A_19, %max3A_20 : vector<1000x1xf32>
    %div3A = arith.constant 1.000000e+00 : f32
    %div3A_22 = vector.broadcast %div3A : f32 to vector<1000x1xf32>
    %div3A_23 = arith.divf %div3A_22, %max3A_21 : vector<1000x1xf32>
    %get3A_24 = arith.constant 0 : index
    %get3A_25 = arith.constant 0 : index
    %get3A_26 = vector.load %arg1[%get3A_24, %get3A_25] : memref<1000x128xf32, #tpu.memory_space<vmem>>, vector<1000x128xf32>
    %get3A_27 = arith.constant 0 : index
    %get3A_28 = arith.constant 0 : index
    %get3A_29 = vector.load %arg4[%get3A_27, %get3A_28] : memref<256x128xf32, #tpu.memory_space<vmem>>, vector<128x128xf32>
    %dot_general3A = arith.constant dense<0.000000e+00> : vector<1000x128xf32>
    %dot_general3A_30 = tpu.matmul %get3A_26, %get3A_29, %dot_general3A {dimension_numbers = #tpu.dot_dimension_numbers<[1], [0], [0], [1], [0, 0, 1, 1], [], []>, transpose_lhs_hint = false} : vector<1000x128xf32>, vector<128x128xf32>, vector<1000x128xf32> -> vector<1000x128xf32>
    %get3A_31 = arith.constant 128 : index
    %get3A_32 = arith.constant 0 : index
    %get3A_33 = vector.load %arg4[%get3A_31, %get3A_32] : memref<256x128xf32, #tpu.memory_space<vmem>>, vector<128x128xf32>
    %dot_general3A_34 = arith.constant dense<0.000000e+00> : vector<1000x128xf32>
    %dot_general3A_35 = tpu.matmul %add3A, %get3A_33, %dot_general3A_34 {dimension_numbers = #tpu.dot_dimension_numbers<[1], [0], [0], [1], [0, 0, 1, 1], [], []>, transpose_lhs_hint = false} : vector<1000x128xf32>, vector<128x128xf32>, vector<1000x128xf32> -> vector<1000x128xf32>
    %mul3A = vector.broadcast %div3A_23 : vector<1000x1xf32> to vector<1000x128xf32>
    %mul3A_36 = arith.mulf %dot_general3A_35, %mul3A : vector<1000x128xf32>
    %add3A_37 = arith.addf %dot_general3A_30, %mul3A_36 : vector<1000x128xf32>
    %get3A_38 = arith.constant 0 : index
    %get3A_39 = arith.constant 0 : index
    %get3A_40 = vector.load %arg5[%get3A_38, %get3A_39] : memref<1x128xf32, #tpu.memory_space<vmem>>, vector<1x128xf32>
    %add3A_41 = vector.broadcast %get3A_40 : vector<1x128xf32> to vector<1000x128xf32>
    %add3A_42 = arith.addf %add3A_37, %add3A_41 : vector<1000x128xf32>
    %gt3A = arith.constant 0.000000e+00 : f32
    %gt3A_43 = vector.broadcast %gt3A : f32 to vector<1000x128xf32>
    %gt3A_44 = arith.cmpf ogt, %add3A_42, %gt3A_43 : vector<1000x128xf32>
    %mul3A_45 = arith.constant 0.00999999977 : f32
    %mul3A_46 = vector.broadcast %mul3A_45 : f32 to vector<1000x128xf32>
    %mul3A_47 = arith.mulf %mul3A_46, %add3A_42 : vector<1000x128xf32>
    %select_n3A = arith.select %gt3A_44, %add3A_42, %mul3A_47 : vector<1000x128xi1>, vector<1000x128xf32>
    %swap3A = arith.constant 0 : index
    %swap3A_48 = arith.constant 0 : index
    %swap3A_49 = vector.load %arg6[%swap3A, %swap3A_48] : memref<1000x128xf32, #tpu.memory_space<vmem>>, vector<1000x128xf32>
    tpu.vector_store %arg6[%swap3A, %swap3A_48], %select_n3A {strides = array<i32>} : memref<1000x128xf32, #tpu.memory_space<vmem>>, vector<1000x128xf32>,
    return
  }
  func.func @transform_0(%arg0: i32) -> (i32, i32) {
    %c0_i32 = arith.constant 0 : i32
    %c0_i32_0 = arith.constant 0 : i32
    return %arg0, %c0_i32 : i32, i32
  }
  func.func @transform_1(%arg0: i32) -> (i32, i32, i32) {
    %c0_i32 = arith.constant 0 : i32
    %c0_i32_0 = arith.constant 0 : i32
    %c0_i32_1 = arith.constant 0 : i32
    return %c0_i32, %arg0, %c0_i32_0 : i32, i32, i32
  }
  func.func @transform_2(%arg0: i32) -> (i32, i32, i32) {
    %c0_i32 = arith.constant 0 : i32
    %c0_i32_0 = arith.constant 0 : i32
    %c0_i32_1 = arith.constant 0 : i32
    return %c0_i32, %arg0, %c0_i32_0 : i32, i32, i32
  }
  func.func @transform_3(%arg0: i32) -> (i32, i32) {
    %c0_i32 = arith.constant 0 : i32
    %c0_i32_0 = arith.constant 0 : i32
    %c0_i32_1 = arith.constant 0 : i32
    return %c0_i32, %c0_i32_0 : i32, i32
  }
  func.func @transform_4(%arg0: i32) -> (i32, i32) {
    %c0_i32 = arith.constant 0 : i32
    %c0_i32_0 = arith.constant 0 : i32
    %c0_i32_1 = arith.constant 0 : i32
    return %c0_i32, %c0_i32_0 : i32, i32
  }
  func.func @transform_5(%arg0: i32) -> (i32, i32) {
    %c0_i32 = arith.constant 0 : i32
    %c0_i32_0 = arith.constant 0 : i32
    return %arg0, %c0_i32 : i32, i32
  }
}

</mosaic_0001>

<sc_bundles>
// kernel: kernel.5.cloned.1.call-start
scs
__scs_entry_jumppad:
0x0: {  	(pc) =	sbr.rel $0x88, $3  }
0x1: {  	(tag) =	ssettag $0x0;
	lr =	simm.s32 $0x1  }
0x2: {  	[smem:$0x3F9D] =	sst lr;
	_ =	strace $0xD0000000  }
0x3: {  	_ = 	snop  }
0x4: {  	_ = 	snop  }
0x5: {  	_ = 	snop  }
0x6: {  	_ = 	snop  }
0x7: {  	_ = 	snop  }
__scs_overlays_trampoline_lowered:
0x8: {  	[smem:$0x3FAC] =	sst s0  }
0x9: {  	[smem:$0x3FAD] =	sst s1  }
0xa: {  	[smem:$0x3FAE] =	sst s2  }
0xb: {  	[smem:$0x3FAF] =	sst s3  }
0xc: {  	[smem:$0x3FB0] =	sst s4  }
0xd: {  	[smem:$0x3FB1] =	sst s5  }
0xe: {  	[smem:$0x3FB2] =	sst s6  }
0xf: {  	[smem:$0x3FB3] =	sst s7  }
0x10: {  	[smem:$0x3FB4] =	sst s8  }
0x11: {  	[smem:$0x3FB5] =	sst s9;
	s0 =	simm.s32 @!p0 $0x0  }
0x12: {  	s1 =	sld [smem:$0x3F9B];
	s0 =	simm.s32 @p0 $0x1  }
0x13: {  	[smem:$0x3FB6] =	sst s0;
	s0 =	simm.s32 @!p1 $0x0  }
0x14: {  	s2 =	sld [smem:$0x3F9A];
	s0 =	simm.s32 @p1 $0x1  }
0x15: {  	[smem:$0x3FB7] =	sst s0;
	s0 =	simm.s32 @!p2 $0x0  }
0x16: {  	s3 =	sld [smem:$0x3FDB];
	s0 =	simm.s32 @p2 $0x1  }
0x17: {  	s4 =	simm.s32 $0x1BF5;
	[smem:$0x3FB9] =	sst s0  }
0x18: {  	s0 =	sld [smem:$0x3F9C];
	_ =	swait.ge [sflag:s4], $0x0  }
0x19: {  	s7 =	sld [smem:$0x3F9D]  }
0x1a: {  	s8 =	sadd.s32 $0xFFFFE003, lr  }
0x1b: {  	s9 =	sadd.s32 $0xFFFFFEF7, lr;
	s5 =	simm.s32 $0xFFFFFFFF;
	p2 =	slt.u32 s8, $0xFFFFF086  }
0x1c: {  	p1 =	slt.u32 s9, $0xF7A;
	s5 =	simm.s32 @!p2 $0x0  }
0x1d: {  	s5 =	simm.s32 @p1 $0x1;
	p0 =	seq.s32 s7, s2  }
0x1e: {  	s7 =	smul.u32 @!p0 $0xF7A, s2;
	p2 =	seq.s32 @!p0 s5, $0x0  }
0x1f: {  	s9 =	smul.u32 $0xF7A, s1;
	s8 =	simm.s32 @!p0 $0x1BF5;
	p2 =	por !p2, p0  }
0x20: {  	[sflag:s8] =	ssyncset.s32 @!p0 $0xFFFFF086;
	s6 =	sadd.s32 @!p0 s3, s7;
	s7 =	simm.s32 @!p0 $0x108  }
0x21: {  	s3 =	sadd.s32 s3, s9;
	s6 =	sadd.s32 @!p0 $0x88, s6;
	s7 =	simm.s32 @p2 $0x1082  }
0x22: {  	[simem:s7], [sflag:s8] =	dma.local @!p0 [hbm:s6], $0xF7A  }
0x23: {  	s9 =	sor.u32 $0xD0000000, s2;
	s6 =	simm.s32 $0x108;
	_ =	swait.ge @!p0 [sflag:s8], $0x0  }
0x24: {  	s3 =	sadd.s32 $0x88, s3;
	s6 =	simm.s32 @!p1 $0x1082;
	[sflag:s4] =	ssyncset.s32 $0xFFFFF086  }
0x25: {  	[simem:s6], [sflag:s4] =	dma.local [hbm:s3], $0xF7A  }
0x26: {  	[smem:$0x3F9D] =	sst s1;
	(tag) =	ssettag s2;
	_ =	strace s9  }
0x27: {  	s1 =	sld [smem:$0x3FAD]  }
0x28: {  	s2 =	sld [smem:$0x3FAE]  }
0x29: {  	s4 =	sld [smem:$0x3FB0]  }
0x2a: {  	p0 =	seq.s32 s5, $0x0;
	s5 =	sld [smem:$0x3FB1]  }
0x2b: {  	s6 =	sld [smem:$0x3FB2]  }
0x2c: {  	s7 =	sld [smem:$0x3FB3]  }
0x2d: {  	s3 =	simm.s32 $0x108;
	s8 =	sld [smem:$0x3FB4]  }
0x2e: {  	s3 =	simm.s32 @!p0 $0x1082;
	s9 =	sld [smem:$0x3FB5]  }
0x2f: {  	lr =	sadd.s32 s0, s3;
	s0 =	sld [smem:$0x3FAC]  }
0x30: {  	s3 =	sld [smem:$0x3FAF]  }
0x31: {  	[smem:$0x3FB8] =	sst s10  }
0x32: {  	s10 =	sld [smem:$0x3FB6];
	_ =	sdelay $0x3  }
0x33: {  	p0 =	seq.s32 s10, $0x1;
	s10 =	sld [smem:$0x3FB8];
	_ =	sdelay $0x3  }
0x34: {  	[smem:$0x3FB8] =	sst s10  }
0x35: {  	s10 =	sld [smem:$0x3FB7];
	_ =	sdelay $0x3  }
0x36: {  	p1 =	seq.s32 s10, $0x1;
	s10 =	sld [smem:$0x3FB8];
	_ =	sdelay $0x3  }
0x37: {  	[smem:$0x3FB8] =	sst s10  }
0x38: {  	s10 =	sld [smem:$0x3FB9]  }
0x39: {  	_ = 	snop;
	(pc) =	sbr.ind lr, $3  }
0x3a: {  	_ = 	snop  }
0x3b: {  	_ = 	snop  }
0x3c: {  	p2 =	seq.s32 s10, $0x1;
	s10 =	sld [smem:$0x3FB8]  }
0x3d: {  	_ =	shalt  }
0x3e: {  	_ =	shalt  }
0x3f: {  	_ =	shalt  }
0x40: {  	_ =	shalt  }
0x41: {  	_ =	shalt  }
0x42: {  	_ =	shalt  }
0x43: {  	_ =	shalt  }
0x44: {  	_ =	shalt  }
0x45: {  	_ =	shalt  }
0x46: {  	_ =	shalt  }
0x47: {  	_ =	shalt  }
0x48: {  	_ =	shalt  }
0x49: {  	_ =	shalt  }
0x4a: {  	_ =	shalt  }
0x4b: {  	_ =	shalt  }
0x4c: {  	_ =	shalt  }
0x4d: {  	_ =	shalt  }
0x4e: {  	_ =	shalt  }
0x4f: {  	_ =	shalt  }
0x50: {  	_ =	shalt  }
0x51: {  	_ =	shalt  }
0x52: {  	_ =	shalt  }
0x53: {  	_ =	shalt  }
0x54: {  	_ =	shalt  }
0x55: {  	_ =	shalt  }
0x56: {  	_ =	shalt  }
0x57: {  	_ =	shalt  }
0x58: {  	_ =	shalt  }
0x59: {  	_ =	shalt  }
0x5a: {  	_ =	shalt  }
0x5b: {  	_ =	shalt  }
0x5c: {  	_ =	shalt  }
0x5d: {  	_ =	shalt  }
0x5e: {  	_ =	shalt  }
0x5f: {  	_ =	shalt  }
0x60: {  	_ =	shalt  }
0x61: {  	_ =	shalt  }
0x62: {  	_ =	shalt  }
0x63: {  	_ =	shalt  }
0x64: {  	_ =	shalt  }
0x65: {  	_ =	shalt  }
0x66: {  	_ =	shalt  }
0x67: {  	_ =	shalt  }
0x68: {  	_ =	shalt  }
0x69: {  	_ =	shalt  }
0x6a: {  	_ =	shalt  }
0x6b: {  	_ =	shalt  }
0x6c: {  	_ =	shalt  }
0x6d: {  	_ =	shalt  }
0x6e: {  	_ =	shalt  }
0x6f: {  	_ =	shalt  }
0x70: {  	_ =	shalt  }
0x71: {  	_ =	shalt  }
0x72: {  	_ =	shalt  }
0x73: {  	_ =	shalt  }
0x74: {  	_ =	shalt  }
0x75: {  	_ =	shalt  }
0x76: {  	_ =	shalt  }
0x77: {  	_ =	shalt  }
0x78: {  	_ =	shalt  }
0x79: {  	_ =	shalt  }
0x7a: {  	_ =	shalt  }
0x7b: {  	_ =	shalt  }
0x7c: {  	_ =	shalt  }
0x7d: {  	_ =	shalt  }
0x7e: {  	_ =	shalt  }
0x7f: {  	_ =	shalt  }
0x80: {  	_ =	shalt  }
0x81: {  	_ =	shalt  }
0x82: {  	_ =	shalt  }
0x83: {  	_ =	shalt  }
0x84: {  	_ =	shalt  }
0x85: {  	_ =	shalt  }
0x86: {  	_ =	shalt  }
0x87: {  	_ =	shalt  }
.Lfunc_end0:
.L_simem_size_0:
called_computation_lowered:
.L_overlay_start_0:
0x88: {  	s2 =	sld [smem:$0x3FD9]  }
0x89: {  	s3 =	sld [smem:$0x3FFE];
	_ =	sdelay $0x1  }
0x8a: {  	s1 =	srdreg.scid  }
0x8b: {  	s0 =	sand.u32 $0x1, s1  }
0x8c: {  	s17 =	sshll.u32 s0, $0xA;
	s2 =	sadd.s32 s3, s2  }
0x8d: {  	s2 =	sadd.s32 s2, s17  }
0x8e: {  	[smem:$0x3FC4] =	sst s2  }
0x8f: {  	_ = 	snop  }
0x90: {  	s2 =	sld [smem:$0x3FC9]  }
0x91: {  	s18 =	sld [smem:$0x3FD0];
	(tm) =	ssettm $0x1  }
0x92: {  	s4 =	sld [smem:$0x3FFB];
	_ =	sdelay $0x3  }
0x93: {  	_ =	strace s4  }
0x94: {  	s4 =	sld [smem:$0x3FFC];
	_ =	sdelay $0x3  }
0x95: {  	_ =	strace s4  }
0x96: {  	s4 =	sld [smem:$0x3FFD];
	_ =	sdelay $0x3  }
0x97: {  	_ =	strace s4  }
0x98: {  	_ =	strace $0x8FFFFFFF  }
0x99: {  	s19 =	sld [smem:$0x3FDB];
	_ =	sdelay $0x1  }
0x9a: {  	s5 =	simm.s32 $_scs_section_size  }
0x9b: {  	s6 =	simm.s32 $_size__tile_overlayer_lowered;
	s7 =	simm.s32 $_tile_overlayer_lowered  }
0x9c: {  	s22 =	simm.s32 $0x1BFF;
	s21 =	sshll.u32 s7, $0x1;
	s4 =	sadd.s32 s5, s19  }
0x9d: {  	s8 =	simm.s32 $0x0;
	s20 =	sshll.u32 s6, $0x1;
	s6 =	sadd.s32 s21, s4  }
0x9e: {  	[timem:s8], [sflag:s22] =	dma.local [hbm:s6], s20  }
0x9f: {  	_ =	swait.ge [sflag:s22], s20  }
0xa0: {  	s5 =	ssub.s32 $0x0, s20;
	[sflag:s22] =	ssyncset.done $0x0  }
0xa1: {  	[sflag:s22] =	ssyncadd.s32 s5;
	_ =	sdelay $0x1  }
0xa2: {  	s23 =	simm.s32 $0x1B8B  }
0xa3: {  	_ =	swait.ge [sflag:s23], $0x1  }
0xa4: {  	[sflag:s23] =	ssyncset.done $0x0  }
0xa5: {  	s25 =	simm.s32 $0x1B8E;
	s24 =	sld [smem:$0x3FFE];
	[sflag:s23] =	ssyncadd.s32 $0xFFFFFFFF  }
0xa6: {  	s26 =	simm.s32 $execute0_lowered;
	[smem:$0x3FD2] =	sst s25  }
0xa7: {  	s6 =	sshll.u32 s26, $0x1;
	_ =	strace $0x80000046;
	[dreg:$0x1] =	wrdreg $0xFFFFFFFF  }
0xa8: {  	s28 =	simm.s32 $_size_execute0_lowered;
	s4 =	sadd.s32 s4, s6;
	[dreg:$0x0] =	wrdreg $0x0  }
0xa9: {  	s6 =	sshll.u32 s28, $0x1;
	[dreg:$0x2] =	wrdreg s4  }
0xaa: {  	[dreg:$0x3] =	wrdreg s6  }
0xab: {  	[dreg:$0x4] =	wrdreg $0xC0  }
0xac: {  	_ =	task [dreg:s8], $0x5FFFF  }
0xad: {  	[dreg:$0x1] =	wrdreg $0xFFFFFFFF  }
0xae: {  	[dreg:$0x0] =	wrdreg $0x60  }
0xaf: {  	[dreg:$0x2] =	wrdreg s2  }
0xb0: {  	[dreg:$0x3] =	wrdreg s24  }
0xb1: {  	[dreg:$0x4] =	wrdreg s18  }
0xb2: {  	[dreg:$0x5] =	wrdreg $0x0  }
0xb3: {  	[dreg:$0x6] =	wrdreg $0x9  }
0xb4: {  	_ =	task.clear_ibuf [dreg:s8], $0x7FFFF;
	_ =	strace $0x90000046  }
0xb5: {  	s29 =	simm.s32 $0x9;
	_ =	strace $0x80000048  }
0xb6: {  	_ =	swait.ge [sflag:s29], $0x1  }
0xb7: {  	[sflag:s29] =	ssyncadd.s32 $0xFFFFFFFF  }
0xb8: {  	_ =	strace $0x90000048  }
0xb9: {  	_ =	sfence  }
0xba: {  	s30 =	sld [smem:$0x0];
	_ =	sdelay $0x2  }
0xbb: {  	s31 =	sshll.u32 s1, $0xD;
	s1 =	sshrl.u32 s1, $0x2  }
0xbc: {  	s3 =	sand.u32 $0x4000, s31;
	s1 =	sadd.s32 s1, s30  }
0xbd: {  	s0 =	sor.u32 s3, s0;
	s1 =	sshll.u32 s1, $0x11  }
0xbe: {  	s0 =	sor.u32 s1, s0  }
0xbf: {  	s0 =	sadd.s32 $0x8F2B, s0  }
0xc0: {  	[sflag:s0] =	ssyncadd.remote.s32 $0x1  }
0xc1: {  	_ =	sfence.sel $0xFFFF  }
0xc2: {  	[dreg:$0x0] =	wrdreg $0xFFFFFFFF;
	(pc) =	sbr.abs _section_cstart, $3  }
0xc3: {  	[dreg:$0x1] =	wrdreg $0xFFFFFFFF  }
0xc4: {  	_ =	task.clear_ibuf [dreg:s8], $0x2FFFF;
	_ =	strace $0x9FFFFFFF  }
0xc5: {  	(tm) =	ssettm $0x7FFFFFFF  }
tec
execute0_lowered:
.L_overlay_start_1:
0x0: {  	(tag) =	ssettag $0x1  }
0x1: {  	s0 =	rddreg [dreg:$0x0]  }
0x2: {  	s5 =	rddreg [dreg:$0x1]  }
0x3: {  	s11 =	rddreg [dreg:$0x2]  }
0x4: {  	s1 =	srdreg.scid;
	s3 =	rddreg [dreg:$0x3]  }
0x5: {  	s2 =	stileid.u32;
	s4 =	simm.s32 $0x0;
	s15 =	simm.s32 $0x13C00  }
0x6: {  	s16 =	simm.s32 $0x50;
	s17 =	simm.s32 $0x18D80;
	s18 =	simm.s32 $0x13C80  }
0x7: {  	s19 =	simm.s32 $0x16500;
	s20 =	simm.s32 $0x1;
	s8 =	smul.u32 $0x13C00, s2  }
0x8: {  	s21 =	simm.s32 $0x2;
	s22 =	simm.s32 $0x0;
	s12 =	smul.u32 $0x4F000, s2  }
0x9: {  	s6 =	sand.u32 $0x1, s1;
	s1 =	rddreg [dreg:$0x4];
	s14 =	smul.u32 $0x4E2, s2  }
0xa: {  	[smem:$0x7FF] =	sst s4;
	s9 =	sadd.s32 $0xE00, s5;
	s7 =	smul.u32 $0x13C000, s6  }
0xb: {  	_ =	strace $0x80000047;
	s25 =	sshll.u32 s6, $0x4;
	s10 =	ssub.s32 $0x2, s6  }
0xc: {  	s30 =	smul.u32 $0x4E20, s6;
	s26 =	sshrl.u32 s10, $0x1;
	s29 =	sshrl.u32 s12, $0x2  }
0xd: {  	s12 =	simm.s32 $0x13D00;
	s7 =	sadd.s32 s8, s7;
	s8 =	sor.u32 s2, s25  }
0xe: {  	s10 =	ssub.s32 s10, s26;
	s7 =	sshrl.u32 s7, $0x3;
	s28 =	smul.u32 $0x4E2, s8  }
0xf: {  	s31 =	sadd.s32 s30, s9;
	s13 =	sadd.s32 s7, s5;
	s5 =	sadd.s32 s29, s3  }
0x10: {  	s6 =	sadd.s32 s9, s28;
	s7 =	sadd.s32 s11, s28;
	s8 =	sadd.s32 $0xAC00, s13  }
0x11: {  	s9 =	smax.u32 s10, $0x1;
	s10 =	sadd.s32 s14, s31;
	s11 =	sadd.s32 s30, s11  }
0x12: {  	v0 =	vimm.f32 $0.0e+00;
	s13 =	simm.s32 $0x3;
	s11 =	sadd.s32 s14, s11;
	s14 =	simm.s32 $0x18D00  }
.LBB2_1:
0x13: {  	s23 =	simm.s32 $0x0;
	s24 =	simm.s32 $0x0  }
.LBB2_2:
0x14: {  	p0 =	sne.s32 s24, $0xFC0  }
.Ltmp0:
0x15: {  	_ = 	snop;
	(pc) =	sbr.rel @p0 .LBB2_2-.Ltmp0, $4  }
0x16: {  	s25 =	sand.u32 $0xE00, s24  }
0x17: {  	s26 =	sand.u32 $0x70, s23;
	s25 =	sshrl.u32 s25, $0x2  }
0x18: {  	s25 =	sor.u32 s26, s25  }
0x19: {  	s23 =	sadd.s32 $0x10, s23;
	s24 =	sadd.s32 $0x40, s24;
	[tilespmem:s25+$0x13D00] =	vst v0  }
0x1a: {  	s23 =	sadd.s32 $0x0, s5  }
0x1b: {  	[spmem:s23] =	stream.linear.scatter [tilespmem:s12], [sflag:$0x3], $0x400, $0x38;
	[tilespmem:$0x18E00] =	vst v63  }
0x1c: {  	s23 =	simm.s32 $0x1000;
	_ =	swait.ge [sflag:s13], $0x400  }
.LBB2_4:
0x1d: {  	s24 =	sshra.s32 s23, $0x2;
	[sflag:s13] =	ssyncset.done $0x0;
	p0 =	sne.s32 s23, $0x4E000  }
.Ltmp1:
0x1e: {  	s24 =	sadd.s32 s24, s5;
	[sflag:s13] =	ssyncadd.s32 $0xFFFFFC00;
	(pc) =	sbr.rel @p0 .LBB2_4-.Ltmp1, $3  }
0x1f: {  	[spmem:s24] =	stream.linear.scatter [tilespmem:s12], [sflag:$0x3], $0x400, $0x38;
	[tilespmem:$0x18E00] =	vst v63  }
0x20: {  	s23 =	sadd.s32 $0x1000, s23;
	_ =	sdelay $0x1  }
0x21: {  	_ =	swait.ge [sflag:s13], $0x400  }
0x22: {  	[sflag:s13] =	ssyncset.done $0x0  }
0x23: {  	[sflag:s13] =	ssyncadd.s32 $0xFFFFFC00  }
0x24: {  	s23 =	simm.s32 $0x0;
	[bflag:$0x0] =	sbarrier.arrive $0xFFFF  }
0x25: {  	[tilespmem:s14], [sflag:$0x3] =	stream.linear.gather [hbm4b:s6+s23], $0x50, $0x38;
	[tilespmem:$0x18E00] =	vst v63  }
0x26: {  	_ =	swait.ge [sflag:s13], $0x50  }
0x27: {  	[sflag:s13] =	ssyncset.done $0x0  }
0x28: {  	[sflag:s13] =	ssyncadd.s32 $0xFFFFFFB0  }
0x29: {  	[tilespmem:s15], [sflag:$0x3] =	stream.linear.gather [hbm4b:s7+s23], $0x50, $0x38;
	[tilespmem:$0x18E00] =	vst v63  }
0x2a: {  	_ =	swait.ge [sflag:s13], $0x50  }
0x2b: {  	[sflag:s13] =	ssyncset.done $0x0  }
0x2c: {  	s29 =	sadd.s32 $0x0, s10;
	[sflag:s13] =	ssyncadd.s32 $0xFFFFFFB0  }
0x2d: {  	[tilespmem:s12], [sflag:$0x1] =	stream.indirect.gather [hbm4b:s0+s16], $0x80, s14, s16, $0xb8;
	[tilespmem:$0x18E00] =	vst v63  }
0x2e: {  	s24 =	sadd.s32 $0xA, s29  }
0x2f: {  	[tilespmem:s17], [sflag:$0x3] =	stream.linear.gather [hbm4b:s24+s4], $0x50, $0x38;
	[tilespmem:$0x18E00] =	vst v63  }
0x30: {  	_ =	swait.ge [sflag:s13], $0x50  }
0x31: {  	s30 =	sadd.s32 $0x0, s11;
	[sflag:s13] =	ssyncset.done $0x0  }
0x32: {  	s25 =	sadd.s32 $0xA, s30;
	[sflag:s13] =	ssyncadd.s32 $0xFFFFFFB0  }
0x33: {  	[tilespmem:s18], [sflag:$0x3] =	stream.linear.gather [hbm4b:s25+s4], $0x50, $0x38;
	[tilespmem:$0x18E00] =	vst v63  }
0x34: {  	_ =	swait.ge [sflag:s13], $0x50  }
0x35: {  	[sflag:s13] =	ssyncset.done $0x0  }
0x36: {  	[sflag:s13] =	ssyncadd.s32 $0xFFFFFFB0  }
0x37: {  	[tilespmem:s19], [sflag:$0x2] =	stream.indirect.gather [hbm4b:s0+s16], $0x80, s17, s16, $0xb8;
	[tilespmem:$0x18E00] =	vst v63  }
0x38: {  	_ =	swait.ge [sflag:s20], $0x2800  }
0x39: {  	[sflag:s20] =	ssyncset.done $0x0  }
0x3a: {  	[sflag:s20] =	ssyncadd.s32 $0xFFFFD800  }
0x3b: {  	[spmem:s3] =	stream.indirect.scatter.add.f32 [tilespmem:s12], [sflag:$0x3], $0x80, s15, s16, $0xb8;
	[tilespmem:$0x18E00] =	vst v63  }
0x3c: {  	_ =	swait.ge [sflag:s13], $0x2800  }
0x3d: {  	[sflag:s13] =	ssyncset.done $0x0  }
0x3e: {  	s23 =	sadd.s32 $0x14, s29;
	[sflag:s13] =	ssyncadd.s32 $0xFFFFD800  }
0x3f: {  	[tilespmem:s14], [sflag:$0x3] =	stream.linear.gather [hbm4b:s23+s4], $0x50, $0x38;
	[tilespmem:$0x18E00] =	vst v63  }
0x40: {  	_ =	swait.ge [sflag:s13], $0x50  }
0x41: {  	[sflag:s13] =	ssyncset.done $0x0  }
0x42: {  	s31 =	sadd.s32 $0x14, s30;
	[sflag:s13] =	ssyncadd.s32 $0xFFFFFFB0  }
0x43: {  	[tilespmem:s15], [sflag:$0x3] =	stream.linear.gather [hbm4b:s31+s4], $0x50, $0x38;
	[tilespmem:$0x18E00] =	vst v63  }
0x44: {  	_ =	swait.ge [sflag:s13], $0x50  }
0x45: {  	[sflag:s13] =	ssyncset.done $0x0  }
0x46: {  	[sflag:s13] =	ssyncadd.s32 $0xFFFFFFB0  }
0x47: {  	[tilespmem:s12], [sflag:$0x1] =	stream.indirect.gather [hbm4b:s0+s16], $0x80, s14, s16, $0xb8;
	[tilespmem:$0x18E00] =	vst v63  }
0x48: {  	_ =	swait.ge [sflag:s21], $0x2800  }
0x49: {  	[sflag:s21] =	ssyncset.done $0x0  }
0x4a: {  	[sflag:s21] =	ssyncadd.s32 $0xFFFFD800  }
0x4b: {  	[spmem:s3] =	stream.indirect.scatter.add.f32 [tilespmem:s19], [sflag:$0x3], $0x80, s18, s16, $0xb8;
	[tilespmem:$0x18E00] =	vst v63  }
0x4c: {  	s26 =	simm.s32 $0x28;
	_ =	swait.ge [sflag:s13], $0x2800  }
0x4d: {  	s25 =	sadd.s32 $0x14, s10;
	s23 =	simm.s32 $0x14;
	[sflag:s13] =	ssyncset.done $0x0  }
.LBB2_6:
0x4e: {  	s28 =	sadd.s32 $0xA, s25  }
0x4f: {  	[sflag:s13] =	ssyncadd.s32 $0xFFFFD800;
	s29 =	smov.u32 s26;
	s24 =	sadd.s32 $0x14, s26  }
0x50: {  	[tilespmem:s17], [sflag:$0x3] =	stream.linear.gather [hbm4b:s28+s4], $0x50, $0x38;
	[tilespmem:$0x18E00] =	vst v63  }
0x51: {  	p0 =	sne.s32 s26, $0x4C4;
	_ =	swait.ge [sflag:s13], $0x50  }
0x52: {  	s26 =	sadd.s32 s23, s11;
	s23 =	smov.u32 s29;
	[sflag:s13] =	ssyncset.done $0x0  }
0x53: {  	s28 =	sadd.s32 $0xA, s26;
	[sflag:s13] =	ssyncadd.s32 $0xFFFFFFB0  }
0x54: {  	[tilespmem:s18], [sflag:$0x3] =	stream.linear.gather [hbm4b:s28+s4], $0x50, $0x38;
	[tilespmem:$0x18E00] =	vst v63  }
0x55: {  	_ =	swait.ge [sflag:s13], $0x50  }
0x56: {  	[sflag:s13] =	ssyncset.done $0x0  }
0x57: {  	[sflag:s13] =	ssyncadd.s32 $0xFFFFFFB0  }
0x58: {  	[tilespmem:s19], [sflag:$0x2] =	stream.indirect.gather [hbm4b:s0+s16], $0x80, s17, s16, $0xb8;
	[tilespmem:$0x18E00] =	vst v63  }
0x59: {  	_ =	swait.ge [sflag:s20], $0x2800  }
0x5a: {  	[sflag:s20] =	ssyncset.done $0x0  }
0x5b: {  	[sflag:s20] =	ssyncadd.s32 $0xFFFFD800  }
0x5c: {  	[spmem:s3] =	stream.indirect.scatter.add.f32 [tilespmem:s12], [sflag:$0x3], $0x80, s15, s16, $0xb8;
	[tilespmem:$0x18E00] =	vst v63  }
0x5d: {  	_ =	swait.ge [sflag:s13], $0x2800  }
0x5e: {  	[sflag:s13] =	ssyncset.done $0x0  }
0x5f: {  	s25 =	sadd.s32 $0x14, s25;
	[sflag:s13] =	ssyncadd.s32 $0xFFFFD800  }
0x60: {  	[tilespmem:s14], [sflag:$0x3] =	stream.linear.gather [hbm4b:s25+s4], $0x50, $0x38;
	[tilespmem:$0x18E00] =	vst v63  }
0x61: {  	_ =	swait.ge [sflag:s13], $0x50  }
0x62: {  	[sflag:s13] =	ssyncset.done $0x0  }
0x63: {  	s25 =	sadd.s32 $0x14, s26;
	[sflag:s13] =	ssyncadd.s32 $0xFFFFFFB0  }
0x64: {  	[tilespmem:s15], [sflag:$0x3] =	stream.linear.gather [hbm4b:s25+s4], $0x50, $0x38;
	[tilespmem:$0x18E00] =	vst v63  }
0x65: {  	_ =	swait.ge [sflag:s13], $0x50  }
0x66: {  	[sflag:s13] =	ssyncset.done $0x0  }
0x67: {  	[sflag:s13] =	ssyncadd.s32 $0xFFFFFFB0  }
0x68: {  	[tilespmem:s12], [sflag:$0x1] =	stream.indirect.gather [hbm4b:s0+s16], $0x80, s14, s16, $0xb8;
	[tilespmem:$0x18E00] =	vst v63  }
0x69: {  	_ =	swait.ge [sflag:s21], $0x2800  }
.Ltmp2:
0x6a: {  	[sflag:s21] =	ssyncset.done $0x0;
	(pc) =	sbr.rel @p0 .LBB2_6-.Ltmp2, $4  }
0x6b: {  	[sflag:s21] =	ssyncadd.s32 $0xFFFFD800  }
0x6c: {  	[spmem:s3] =	stream.indirect.scatter.add.f32 [tilespmem:s19], [sflag:$0x3], $0x80, s18, s16, $0xb8;
	[tilespmem:$0x18E00] =	vst v63  }
0x6d: {  	_ =	swait.ge [sflag:s13], $0x2800  }
0x6e: {  	s26 =	smov.u32 s24;
	s25 =	sadd.s32 s23, s10;
	[sflag:s13] =	ssyncset.done $0x0  }
0x6f: {  	s24 =	sadd.s32 $0xA, s25;
	[sflag:s13] =	ssyncadd.s32 $0xFFFFD800  }
0x70: {  	[tilespmem:s17], [sflag:$0x3] =	stream.linear.gather [hbm4b:s24+s4], $0x50, $0x38;
	[tilespmem:$0x18E00] =	vst v63  }
0x71: {  	_ =	swait.ge [sflag:s13], $0x50  }
0x72: {  	s23 =	sadd.s32 s23, s11;
	[sflag:s13] =	ssyncset.done $0x0  }
0x73: {  	s28 =	sadd.s32 $0xA, s23;
	[sflag:s13] =	ssyncadd.s32 $0xFFFFFFB0  }
0x74: {  	[tilespmem:s18], [sflag:$0x3] =	stream.linear.gather [hbm4b:s28+s4], $0x50, $0x38;
	[tilespmem:$0x18E00] =	vst v63  }
0x75: {  	_ =	swait.ge [sflag:s13], $0x50  }
0x76: {  	[sflag:s13] =	ssyncset.done $0x0  }
0x77: {  	[sflag:s13] =	ssyncadd.s32 $0xFFFFFFB0  }
0x78: {  	[tilespmem:s19], [sflag:$0x2] =	stream.indirect.gather [hbm4b:s0+s16], $0x80, s17, s16, $0xb8;
	[tilespmem:$0x18E00] =	vst v63  }
0x79: {  	_ =	swait.ge [sflag:s20], $0x2800  }
0x7a: {  	[sflag:s20] =	ssyncset.done $0x0  }
0x7b: {  	[sflag:s20] =	ssyncadd.s32 $0xFFFFD800  }
0x7c: {  	[spmem:s3] =	stream.indirect.scatter.add.f32 [tilespmem:s12], [sflag:$0x3], $0x80, s15, s16, $0xb8;
	[tilespmem:$0x18E00] =	vst v63  }
0x7d: {  	_ =	swait.ge [sflag:s13], $0x2800  }
0x7e: {  	[sflag:s13] =	ssyncset.done $0x0  }
0x7f: {  	s29 =	sadd.s32 $0x14, s25;
	[sflag:s13] =	ssyncadd.s32 $0xFFFFD800  }
0x80: {  	[tilespmem:s14], [sflag:$0x3] =	stream.linear.gather [hbm4b:s29+s4], $0x50, $0x38;
	[tilespmem:$0x18E00] =	vst v63  }
0x81: {  	_ =	swait.ge [sflag:s13], $0x50  }
0x82: {  	[sflag:s13] =	ssyncset.done $0x0  }
0x83: {  	s23 =	sadd.s32 $0x14, s23;
	[sflag:s13] =	ssyncadd.s32 $0xFFFFFFB0  }
0x84: {  	[tilespmem:s15], [sflag:$0x3] =	stream.linear.gather [hbm4b:s23+s4], $0x50, $0x38;
	[tilespmem:$0x18E00] =	vst v63  }
0x85: {  	_ =	swait.ge [sflag:s13], $0x50  }
0x86: {  	[sflag:s13] =	ssyncset.done $0x0  }
0x87: {  	[sflag:s13] =	ssyncadd.s32 $0xFFFFFFB0  }
0x88: {  	[tilespmem:s12], [sflag:$0x1] =	stream.indirect.gather [hbm4b:s0+s16], $0x80, s14, s16, $0xb8;
	[tilespmem:$0x18E00] =	vst v63  }
0x89: {  	_ =	swait.ge [sflag:s21], $0x2800  }
0x8a: {  	[sflag:s21] =	ssyncset.done $0x0  }
0x8b: {  	[sflag:s21] =	ssyncadd.s32 $0xFFFFD800  }
0x8c: {  	[spmem:s3] =	stream.indirect.scatter.add.f32 [tilespmem:s19], [sflag:$0x3], $0x80, s18, s16, $0xb8;
	[tilespmem:$0x18E00] =	vst v63  }
0x8d: {  	_ =	swait.ge [sflag:s13], $0x2800  }
0x8e: {  	[sflag:s13] =	ssyncset.done $0x0  }
0x8f: {  	[sflag:s13] =	ssyncadd.s32 $0xFFFFD800  }
0x90: {  	_ =	swait.ge [sflag:s20], $0x2800  }
0x91: {  	[sflag:s20] =	ssyncset.done $0x0  }
0x92: {  	[sflag:s20] =	ssyncadd.s32 $0xFFFFD800  }
0x93: {  	[spmem:s3] =	stream.indirect.scatter.add.f32 [tilespmem:s12], [sflag:$0x3], $0x80, s15, s16, $0xb8;
	[tilespmem:$0x18E00] =	vst v63  }
0x94: {  	_ =	swait.ge [sflag:s13], $0x2800  }
0x95: {  	s30 =	sshll.u32 s2, $0x6;
	s22 =	sadd.s32 $0x1, s22;
	[sflag:s13] =	ssyncset.done $0x0  }
0x96: {  	s31 =	sshrl.u32 s5, $0x3;
	p0 =	sne.s32 s22, s9;
	[sflag:s13] =	ssyncadd.s32 $0xFFFFD800  }
.Ltmp3:
0x97: {  	s23 =	sor.u32 $0x1C03, s30;
	[bflag:$0x0] =	sbarrier.arrive $0xFFFF;
	(pc) =	sbr.rel @p0 .LBB2_1-.Ltmp3, $4  }
0x98: {  	[hbm:s8], [sflag:s23] =	dma.local [spmem:s31], $0x2780  }
0x99: {  	_ =	swait.ge [sflag:s13], $0x2780  }
0x9a: {  	[sflag:s13] =	ssyncset.done $0x0  }
0x9b: {  	[sflag:s13] =	ssyncadd.s32 $0xFFFFD880  }
0x9c: {  	_ =	sfence.sel $0x180000  }
0x9d: {  	[bflag:$0x0] =	sbarrier.arrive $0xFFFF  }
0x9e: {  	p0 =	sne.s32 s2, $0x0;
	_ =	strace $0x90000047  }
0x9f: {  	s0 =	sadd.s32 @!p0 $0x100000, s1;
	[bflag:$0x2] =	sbarrier.arrive $0xFFFF  }
0xa0: {  	[sflag:s0] =	ssyncadd.tile.s32 @!p0 $0x1;
	_ =	shalt  }
.Lfunc_end2:
_tile_overlayer_lowered:
.L_overlay_start_2:
0xa1: {  	(tag) =	ssettag $0x2  }
0xa2: {  	s0 =	rddreg [dreg:$0x0];
	s2 =	stileid.u32  }
0xa3: {  	s1 =	rddreg [dreg:$0x1];
	p0 =	sne.s32 s2, $0x0  }
0xa4: {  	s3 =	rddreg [dreg:$0x2];
	[bflag:$0x3] =	sbarrier.arrive $0xFFFF;
	s2 =	simm.s32 @!p0 $0x1C03  }
0xa5: {  	[timem:s3], [sflag:s2] =	dma.local @!p0 [hbm:s0], s1  }
0xa6: {  	s0 =	simm.s32 @!p0 $0x3  }
0xa7: {  	_ =	swait.ge @!p0 [sflag:s0], s1  }
0xa8: {  	s1 =	ssub.s32 @!p0 $0x0, s1;
	[sflag:s0] =	ssyncset.done @!p0 $0x0  }
0xa9: {  	[sflag:s0] =	ssyncadd.s32 @!p0 s1  }
0xaa: {  	[bflag:$0x3] =	sbarrier.arrive $0xFFFF  }
0xab: {  	_ =	shalt  }

// kernel: kernel.8.cloned.1.call-start
scs
__scs_entry_jumppad:
0x0: {  	(pc) =	sbr.rel $0x88, $3  }
0x1: {  	(tag) =	ssettag $0x0;
	lr =	simm.s32 $0x1  }
0x2: {  	[smem:$0x3F9D] =	sst lr;
	_ =	strace $0xD0000000  }
0x3: {  	_ = 	snop  }
0x4: {  	_ = 	snop  }
0x5: {  	_ = 	snop  }
0x6: {  	_ = 	snop  }
0x7: {  	_ = 	snop  }
__scs_overlays_trampoline_lowered:
0x8: {  	[smem:$0x3FAC] =	sst s0  }
0x9: {  	[smem:$0x3FAD] =	sst s1  }
0xa: {  	[smem:$0x3FAE] =	sst s2  }
0xb: {  	[smem:$0x3FAF] =	sst s3  }
0xc: {  	[smem:$0x3FB0] =	sst s4  }
0xd: {  	[smem:$0x3FB1] =	sst s5  }
0xe: {  	[smem:$0x3FB2] =	sst s6  }
0xf: {  	[smem:$0x3FB3] =	sst s7  }
0x10: {  	[smem:$0x3FB4] =	sst s8  }
0x11: {  	[smem:$0x3FB5] =	sst s9;
	s0 =	simm.s32 @!p0 $0x0  }
0x12: {  	s1 =	sld [smem:$0x3F9B];
	s0 =	simm.s32 @p0 $0x1  }
0x13: {  	[smem:$0x3FB6] =	sst s0;
	s0 =	simm.s32 @!p1 $0x0  }
0x14: {  	s2 =	sld [smem:$0x3F9A];
	s0 =	simm.s32 @p1 $0x1  }
0x15: {  	[smem:$0x3FB7] =	sst s0;
	s0 =	simm.s32 @!p2 $0x0  }
0x16: {  	s3 =	sld [smem:$0x3FDB];
	s0 =	simm.s32 @p2 $0x1  }
0x17: {  	s4 =	simm.s32 $0x1BF5;
	[smem:$0x3FB9] =	sst s0  }
0x18: {  	s0 =	sld [smem:$0x3F9C];
	_ =	swait.ge [sflag:s4], $0x0  }
0x19: {  	s7 =	sld [smem:$0x3F9D]  }
0x1a: {  	s8 =	sadd.s32 $0xFFFFE003, lr  }
0x1b: {  	s9 =	sadd.s32 $0xFFFFFEF7, lr;
	s5 =	simm.s32 $0xFFFFFFFF;
	p2 =	slt.u32 s8, $0xFFFFF086  }
0x1c: {  	p1 =	slt.u32 s9, $0xF7A;
	s5 =	simm.s32 @!p2 $0x0  }
0x1d: {  	s5 =	simm.s32 @p1 $0x1;
	p0 =	seq.s32 s7, s2  }
0x1e: {  	s7 =	smul.u32 @!p0 $0xF7A, s2;
	p2 =	seq.s32 @!p0 s5, $0x0  }
0x1f: {  	s9 =	smul.u32 $0xF7A, s1;
	s8 =	simm.s32 @!p0 $0x1BF5;
	p2 =	por !p2, p0  }
0x20: {  	[sflag:s8] =	ssyncset.s32 @!p0 $0xFFFFF086;
	s6 =	sadd.s32 @!p0 s3, s7;
	s7 =	simm.s32 @!p0 $0x108  }
0x21: {  	s3 =	sadd.s32 s3, s9;
	s6 =	sadd.s32 @!p0 $0x88, s6;
	s7 =	simm.s32 @p2 $0x1082  }
0x22: {  	[simem:s7], [sflag:s8] =	dma.local @!p0 [hbm:s6], $0xF7A  }
0x23: {  	s9 =	sor.u32 $0xD0000000, s2;
	s6 =	simm.s32 $0x108;
	_ =	swait.ge @!p0 [sflag:s8], $0x0  }
0x24: {  	s3 =	sadd.s32 $0x88, s3;
	s6 =	simm.s32 @!p1 $0x1082;
	[sflag:s4] =	ssyncset.s32 $0xFFFFF086  }
0x25: {  	[simem:s6], [sflag:s4] =	dma.local [hbm:s3], $0xF7A  }
0x26: {  	[smem:$0x3F9D] =	sst s1;
	(tag) =	ssettag s2;
	_ =	strace s9  }
0x27: {  	s1 =	sld [smem:$0x3FAD]  }
0x28: {  	s2 =	sld [smem:$0x3FAE]  }
0x29: {  	s4 =	sld [smem:$0x3FB0]  }
0x2a: {  	p0 =	seq.s32 s5, $0x0;
	s5 =	sld [smem:$0x3FB1]  }
0x2b: {  	s6 =	sld [smem:$0x3FB2]  }
0x2c: {  	s7 =	sld [smem:$0x3FB3]  }
0x2d: {  	s3 =	simm.s32 $0x108;
	s8 =	sld [smem:$0x3FB4]  }
0x2e: {  	s3 =	simm.s32 @!p0 $0x1082;
	s9 =	sld [smem:$0x3FB5]  }
0x2f: {  	lr =	sadd.s32 s0, s3;
	s0 =	sld [smem:$0x3FAC]  }
0x30: {  	s3 =	sld [smem:$0x3FAF]  }
0x31: {  	[smem:$0x3FB8] =	sst s10  }
0x32: {  	s10 =	sld [smem:$0x3FB6];
	_ =	sdelay $0x3  }
0x33: {  	p0 =	seq.s32 s10, $0x1;
	s10 =	sld [smem:$0x3FB8];
	_ =	sdelay $0x3  }
0x34: {  	[smem:$0x3FB8] =	sst s10  }
0x35: {  	s10 =	sld [smem:$0x3FB7];
	_ =	sdelay $0x3  }
0x36: {  	p1 =	seq.s32 s10, $0x1;
	s10 =	sld [smem:$0x3FB8];
	_ =	sdelay $0x3  }
0x37: {  	[smem:$0x3FB8] =	sst s10  }
0x38: {  	s10 =	sld [smem:$0x3FB9]  }
0x39: {  	_ = 	snop;
	(pc) =	sbr.ind lr, $3  }
0x3a: {  	_ = 	snop  }
0x3b: {  	_ = 	snop  }
0x3c: {  	p2 =	seq.s32 s10, $0x1;
	s10 =	sld [smem:$0x3FB8]  }
0x3d: {  	_ =	shalt  }
0x3e: {  	_ =	shalt  }
0x3f: {  	_ =	shalt  }
0x40: {  	_ =	shalt  }
0x41: {  	_ =	shalt  }
0x42: {  	_ =	shalt  }
0x43: {  	_ =	shalt  }
0x44: {  	_ =	shalt  }
0x45: {  	_ =	shalt  }
0x46: {  	_ =	shalt  }
0x47: {  	_ =	shalt  }
0x48: {  	_ =	shalt  }
0x49: {  	_ =	shalt  }
0x4a: {  	_ =	shalt  }
0x4b: {  	_ =	shalt  }
0x4c: {  	_ =	shalt  }
0x4d: {  	_ =	shalt  }
0x4e: {  	_ =	shalt  }
0x4f: {  	_ =	shalt  }
0x50: {  	_ =	shalt  }
0x51: {  	_ =	shalt  }
0x52: {  	_ =	shalt  }
0x53: {  	_ =	shalt  }
0x54: {  	_ =	shalt  }
0x55: {  	_ =	shalt  }
0x56: {  	_ =	shalt  }
0x57: {  	_ =	shalt  }
0x58: {  	_ =	shalt  }
0x59: {  	_ =	shalt  }
0x5a: {  	_ =	shalt  }
0x5b: {  	_ =	shalt  }
0x5c: {  	_ =	shalt  }
0x5d: {  	_ =	shalt  }
0x5e: {  	_ =	shalt  }
0x5f: {  	_ =	shalt  }
0x60: {  	_ =	shalt  }
0x61: {  	_ =	shalt  }
0x62: {  	_ =	shalt  }
0x63: {  	_ =	shalt  }
0x64: {  	_ =	shalt  }
0x65: {  	_ =	shalt  }
0x66: {  	_ =	shalt  }
0x67: {  	_ =	shalt  }
0x68: {  	_ =	shalt  }
0x69: {  	_ =	shalt  }
0x6a: {  	_ =	shalt  }
0x6b: {  	_ =	shalt  }
0x6c: {  	_ =	shalt  }
0x6d: {  	_ =	shalt  }
0x6e: {  	_ =	shalt  }
0x6f: {  	_ =	shalt  }
0x70: {  	_ =	shalt  }
0x71: {  	_ =	shalt  }
0x72: {  	_ =	shalt  }
0x73: {  	_ =	shalt  }
0x74: {  	_ =	shalt  }
0x75: {  	_ =	shalt  }
0x76: {  	_ =	shalt  }
0x77: {  	_ =	shalt  }
0x78: {  	_ =	shalt  }
0x79: {  	_ =	shalt  }
0x7a: {  	_ =	shalt  }
0x7b: {  	_ =	shalt  }
0x7c: {  	_ =	shalt  }
0x7d: {  	_ =	shalt  }
0x7e: {  	_ =	shalt  }
0x7f: {  	_ =	shalt  }
0x80: {  	_ =	shalt  }
0x81: {  	_ =	shalt  }
0x82: {  	_ =	shalt  }
0x83: {  	_ =	shalt  }
0x84: {  	_ =	shalt  }
0x85: {  	_ =	shalt  }
0x86: {  	_ =	shalt  }
0x87: {  	_ =	shalt  }
.Lfunc_end0:
.L_simem_size_0:
called_computation.1_lowered:
.L_overlay_start_0:
0x88: {  	s2 =	sld [smem:$0x3FD9]  }
0x89: {  	s3 =	sld [smem:$0x3FFE];
	_ =	sdelay $0x1  }
0x8a: {  	s1 =	srdreg.scid  }
0x8b: {  	s0 =	sand.u32 $0x1, s1  }
0x8c: {  	s17 =	sshll.u32 s0, $0xA;
	s2 =	sadd.s32 s3, s2  }
0x8d: {  	s2 =	sadd.s32 s2, s17  }
0x8e: {  	[smem:$0x3FC4] =	sst s2  }
0x8f: {  	_ = 	snop  }
0x90: {  	s18 =	sld [smem:$0x3FD0];
	(tm) =	ssettm $0x1  }
0x91: {  	s19 =	sld [smem:$0x3FFB];
	_ =	sdelay $0x3  }
0x92: {  	_ =	strace s19  }
0x93: {  	s2 =	sld [smem:$0x3FFC];
	_ =	sdelay $0x3  }
0x94: {  	_ =	strace s2  }
0x95: {  	s2 =	sld [smem:$0x3FFD];
	_ =	sdelay $0x3  }
0x96: {  	_ =	strace s2  }
0x97: {  	_ =	strace $0x8FFFFFFF  }
0x98: {  	s20 =	sld [smem:$0x3FDB];
	_ =	sdelay $0x1  }
0x99: {  	s4 =	simm.s32 $_scs_section_size  }
0x9a: {  	s5 =	simm.s32 $_size__tile_overlayer_lowered;
	s6 =	simm.s32 $_tile_overlayer_lowered  }
0x9b: {  	s7 =	simm.s32 $0x1BFF;
	s21 =	sshll.u32 s6, $0x1;
	s4 =	sadd.s32 s4, s20  }
0x9c: {  	s22 =	simm.s32 $0x0;
	s5 =	sshll.u32 s5, $0x1;
	s6 =	sadd.s32 s21, s4  }
0x9d: {  	[timem:s22], [sflag:s7] =	dma.local [hbm:s6], s5  }
0x9e: {  	_ =	swait.ge [sflag:s7], s5  }
0x9f: {  	s5 =	ssub.s32 $0x0, s5;
	[sflag:s7] =	ssyncset.done $0x0  }
0xa0: {  	[sflag:s7] =	ssyncadd.s32 s5;
	_ =	sdelay $0x1  }
0xa1: {  	s23 =	simm.s32 $0x1B8B  }
0xa2: {  	_ =	swait.ge [sflag:s23], $0x1  }
0xa3: {  	[sflag:s23] =	ssyncset.done $0x0  }
0xa4: {  	[sflag:s23] =	ssyncadd.s32 $0xFFFFFFFF  }
0xa5: {  	s5 =	sld [smem:$0x0]  }
0xa6: {  	s6 =	sand.u32 $0xFFFFFFFE, s1  }
0xa7: {  	p0 =	sne.s32 s1, s6  }
0xa8: {  	s6 =	sshll.u32 @p0 s6, $0xE  }
0xa9: {  	s6 =	sadd.s32 @p0 $0x11B8D, s6;
	s7 =	sshll.u32 @p0 s5, $0x11  }
0xaa: {  	s6 =	sor.u32 @p0 s7, s6  }
0xab: {  	[sflag:s6] =	ssyncadd.remote.s32 @p0 $0x1;
	_ =	sdelay $0x1  }
0xac: {  	s6 =	simm.s32 @p0 $0x1B8D  }
0xad: {  	_ =	swait.eq @p0 [sflag:s6], $0x1  }
0xae: {  	[sflag:s6] =	ssyncadd.s32 @p0 $0xFFFFFFFF  }
0xaf: {  	s7 =	sshll.u32 @!p0 s1, $0xE  }
0xb0: {  	s7 =	sor.u32 @!p0 $0x4000, s7;
	s6 =	simm.s32 @!p0 $0x1B8D  }
0xb1: {  	s5 =	sshll.u32 @!p0 s5, $0x11;
	s7 =	sadd.s32 @!p0 $0x11B8D, s7;
	_ =	swait.eq @!p0 [sflag:s6], $0x1  }
0xb2: {  	s5 =	sor.u32 @!p0 s5, s7;
	[sflag:s6] =	ssyncadd.s32 @!p0 $0xFFFFFFFF  }
0xb3: {  	s25 =	simm.s32 $0x1B8E;
	s24 =	sld [smem:$0x3FFE];
	[sflag:s5] =	ssyncadd.remote.s32 @!p0 $0x1  }
0xb4: {  	s26 =	simm.s32 $execute0_lowered;
	[smem:$0x3FD2] =	sst s25  }
0xb5: {  	s6 =	sshll.u32 s26, $0x1;
	_ =	strace $0x80000049;
	[dreg:$0x1] =	wrdreg $0xFFFFFFFF  }
0xb6: {  	s28 =	simm.s32 $_size_execute0_lowered;
	s4 =	sadd.s32 s4, s6;
	[dreg:$0x0] =	wrdreg $0x0  }
0xb7: {  	s6 =	sshll.u32 s28, $0x1;
	[dreg:$0x2] =	wrdreg s4  }
0xb8: {  	[dreg:$0x3] =	wrdreg s6  }
0xb9: {  	[dreg:$0x4] =	wrdreg $0xC0  }
0xba: {  	_ =	task [dreg:s22], $0x5FFFF  }
0xbb: {  	[dreg:$0x1] =	wrdreg $0xFFFFFFFF  }
0xbc: {  	[dreg:$0x0] =	wrdreg $0x60  }
0xbd: {  	[dreg:$0x2] =	wrdreg s18  }
0xbe: {  	[dreg:$0x3] =	wrdreg s24  }
0xbf: {  	[dreg:$0x4] =	wrdreg $0x0  }
0xc0: {  	[dreg:$0x5] =	wrdreg $0xA  }
0xc1: {  	_ =	task.clear_ibuf [dreg:s22], $0x6FFFF;
	_ =	strace $0x90000049  }
0xc2: {  	s29 =	simm.s32 $0xA;
	_ =	strace $0x8000004B  }
0xc3: {  	_ =	swait.ge [sflag:s29], $0x1  }
0xc4: {  	[sflag:s29] =	ssyncadd.s32 $0xFFFFFFFF  }
0xc5: {  	_ =	strace $0x9000004B  }
0xc6: {  	_ =	sfence  }
0xc7: {  	s30 =	sld [smem:$0x0];
	_ =	sdelay $0x2  }
0xc8: {  	s31 =	sshll.u32 s1, $0xD;
	s1 =	sshrl.u32 s1, $0x2  }
0xc9: {  	s4 =	sand.u32 $0x4000, s31;
	s1 =	sadd.s32 s1, s30  }
0xca: {  	s0 =	sor.u32 s4, s0;
	s1 =	sshll.u32 s1, $0x11  }
0xcb: {  	s0 =	sor.u32 s1, s0  }
0xcc: {  	s0 =	sadd.s32 $0x8F2B, s0  }
0xcd: {  	[sflag:s0] =	ssyncadd.remote.s32 $0x1  }
0xce: {  	_ =	sfence.sel $0xFFFF  }
0xcf: {  	[dreg:$0x0] =	wrdreg $0xFFFFFFFF;
	(pc) =	sbr.abs _section_cstart, $3  }
0xd0: {  	[dreg:$0x1] =	wrdreg $0xFFFFFFFF  }
0xd1: {  	_ =	task.clear_ibuf [dreg:s22], $0x2FFFF;
	_ =	strace $0x9FFFFFFF  }
0xd2: {  	(tm) =	ssettm $0x7FFFFFFF  }
0xd3: {  	_ =	shalt  }
tec
execute0_lowered:
.L_overlay_start_1:
0x0: {  	(tag) =	ssettag $0x1  }
0x1: {  	s6 =	rddreg [dreg:$0x0]  }
0x2: {  	s4 =	rddreg [dreg:$0x1]  }
0x3: {  	s1 =	rddreg [dreg:$0x2];
	s2 =	srdreg.scid  }
0x4: {  	s0 =	rddreg [dreg:$0x3];
	s3 =	simm.s32 $0x0;
	s12 =	simm.s32 $0x50  }
0x5: {  	s13 =	simm.s32 $0x13D00;
	s14 =	simm.s32 $0x13C80;
	s5 =	sand.u32 $0x1, s2  }
0x6: {  	s15 =	simm.s32 $0x1;
	s2 =	stileid.u32;
	s7 =	smul.u32 $0x13C000, s5  }
0x7: {  	s16 =	simm.s32 $0x2;
	[smem:$0x7FF] =	sst s3;
	s8 =	smul.u32 $0x13C00, s2  }
0x8: {  	s17 =	simm.s32 $0x0;
	_ =	strace $0x8000004A;
	s26 =	smul.u32 $0x4F000, s2  }
0x9: {  	s9 =	sshll.u32 s5, $0x4;
	s10 =	ssub.s32 $0x2, s5;
	s11 =	smul.u32 $0x4E20, s5  }
0xa: {  	s30 =	smul.u32 $0x4E2, s2;
	s25 =	sor.u32 s2, s9;
	s28 =	sshrl.u32 s10, $0x1  }
0xb: {  	s9 =	simm.s32 $0x16500;
	s7 =	sadd.s32 s8, s7;
	s8 =	smul.u32 $0x4E2, s25  }
0xc: {  	s10 =	ssub.s32 s10, s28;
	s29 =	sshrl.u32 s26, $0x2;
	s7 =	sshrl.u32 s7, $0x3  }
0xd: {  	s31 =	sadd.s32 s11, s6;
	s11 =	simm.s32 $0x13C00;
	s7 =	sadd.s32 s7, s4  }
0xe: {  	s4 =	sadd.s32 s29, s1;
	s5 =	sadd.s32 s6, s8;
	s8 =	sadd.s32 s30, s31  }
0xf: {  	v0 =	vimm.f32 $1.000000000e+00;
	v1 =	vimm.f32 $0.0e+00;
	s6 =	sadd.s32 $0x59C00, s7;
	s7 =	smax.u32 s10, $0x1;
	s10 =	simm.s32 $0x3  }
.LBB2_1:
0x10: {  	s18 =	sand.u32 $0xFE00, s3  }
0x11: {  	s20 =	sand.u32 $0x70, s3;
	s18 =	sshrl.u32 s18, $0x2  }
0x12: {  	s19 =	simm.s32 $0x40;
	s21 =	sor.u32 s20, s18;
	s20 =	simm.s32 $0x0  }
.LBB2_2:
0x13: {  	p0 =	sne.s32 s19, $0x9FC0  }
0x14: {  	[tilespmem:s21+$0x13D00] =	vst v0;
	s20 =	sadd.s32 $0x10, s20;
	s18 =	smov.u32 s19;
	s19 =	sadd.s32 $0x40, s19  }
.Ltmp0:
0x15: {  	(pc) =	sbr.rel @p0 .LBB2_2-.Ltmp0, $4  }
0x16: {  	_ = 	snop  }
0x17: {  	s18 =	sand.u32 $0xFE00, s18  }
0x18: {  	s21 =	sand.u32 $0x70, s20;
	s18 =	sshrl.u32 s18, $0x2  }
0x19: {  	s21 =	sor.u32 s21, s18;
	s18 =	simm.s32 $0x0  }
0x1a: {  	s19 =	sand.u32 $0xE00, s18  }
0x1b: {  	s20 =	sand.u32 $0x70, s18;
	s22 =	sshrl.u32 s19, $0x2  }
0x1c: {  	[tilespmem:s21+$0x13D00] =	vst v0;
	s19 =	simm.s32 $0x40;
	s20 =	sor.u32 s20, s22  }
.LBB2_4:
0x1d: {  	p0 =	sne.s32 s19, $0xFC0  }
0x1e: {  	[tilespmem:s20+$0x16500] =	vst v1;
	s18 =	sadd.s32 $0x10, s18;
	s20 =	smov.u32 s19;
	s19 =	sadd.s32 $0x40, s19  }
.Ltmp1:
0x1f: {  	(pc) =	sbr.rel @p0 .LBB2_4-.Ltmp1, $4  }
0x20: {  	_ = 	snop  }
0x21: {  	s20 =	sand.u32 $0xE00, s20  }
0x22: {  	s21 =	sand.u32 $0x70, s18;
	s20 =	sshrl.u32 s20, $0x2  }
0x23: {  	s20 =	sor.u32 s21, s20  }
0x24: {  	[tilespmem:s20+$0x16500] =	vst v1;
	s18 =	sadd.s32 $0x0, s4  }
0x25: {  	[spmem:s18] =	stream.linear.scatter [tilespmem:s9], [sflag:$0x3], $0x400, $0x38;
	[tilespmem:$0x16900] =	vst v63  }
0x26: {  	s18 =	simm.s32 $0x1000;
	_ =	swait.ge [sflag:s10], $0x400  }
.LBB2_6:
0x27: {  	s19 =	sshra.s32 s18, $0x2;
	[sflag:s10] =	ssyncset.done $0x0;
	p0 =	sne.s32 s18, $0x4E000  }
.Ltmp2:
0x28: {  	s19 =	sadd.s32 s19, s4;
	[sflag:s10] =	ssyncadd.s32 $0xFFFFFC00;
	(pc) =	sbr.rel @p0 .LBB2_6-.Ltmp2, $3  }
0x29: {  	[spmem:s19] =	stream.linear.scatter [tilespmem:s9], [sflag:$0x3], $0x400, $0x38;
	[tilespmem:$0x16900] =	vst v63  }
0x2a: {  	s18 =	sadd.s32 $0x1000, s18;
	_ =	sdelay $0x1  }
0x2b: {  	_ =	swait.ge [sflag:s10], $0x400  }
0x2c: {  	[sflag:s10] =	ssyncset.done $0x0  }
0x2d: {  	[sflag:s10] =	ssyncadd.s32 $0xFFFFFC00  }
0x2e: {  	[bflag:$0x0] =	sbarrier.arrive $0xFFFF  }
0x2f: {  	[tilespmem:s11], [sflag:$0x3] =	stream.linear.gather [hbm4b:s5+s3], $0x50, $0x38;
	[tilespmem:$0x16900] =	vst v63  }
0x30: {  	_ =	swait.ge [sflag:s10], $0x50  }
0x31: {  	[sflag:s10] =	ssyncset.done $0x0  }
0x32: {  	s18 =	sadd.s32 $0xFFFFFB28, s8;
	[sflag:s10] =	ssyncadd.s32 $0xFFFFFFB0  }
0x33: {  	[spmem:s1] =	stream.indirect.scatter.add.f32 [tilespmem:s13], [sflag:$0x1], $0x80, s11, s12, $0xb8;
	[tilespmem:$0x16900] =	vst v63  }
0x34: {  	s19 =	sadd.s32 $0x4E2, s18  }
0x35: {  	[tilespmem:s14], [sflag:$0x3] =	stream.linear.gather [hbm4b:s19+s3], $0x50, $0x38;
	[tilespmem:$0x16900] =	vst v63  }
0x36: {  	_ =	swait.ge [sflag:s10], $0x50  }
0x37: {  	[sflag:s10] =	ssyncset.done $0x0  }
0x38: {  	[sflag:s10] =	ssyncadd.s32 $0xFFFFFFB0  }
0x39: {  	_ =	swait.ge [sflag:s15], $0x2800  }
0x3a: {  	[sflag:s15] =	ssyncset.done $0x0  }
0x3b: {  	[sflag:s15] =	ssyncadd.s32 $0xFFFFD800  }
0x3c: {  	[spmem:s1] =	stream.indirect.scatter.add.f32 [tilespmem:s13], [sflag:$0x2], $0x80, s14, s12, $0xb8;
	[tilespmem:$0x16900] =	vst v63  }
0x3d: {  	s18 =	sadd.s32 $0x4EC, s18  }
0x3e: {  	[tilespmem:s11], [sflag:$0x3] =	stream.linear.gather [hbm4b:s18+s3], $0x50, $0x38;
	[tilespmem:$0x16900] =	vst v63  }
0x3f: {  	_ =	swait.ge [sflag:s10], $0x50  }
0x40: {  	[sflag:s10] =	ssyncset.done $0x0  }
0x41: {  	[sflag:s10] =	ssyncadd.s32 $0xFFFFFFB0  }
0x42: {  	_ =	swait.ge [sflag:s16], $0x2800  }
0x43: {  	s18 =	simm.s32 $0xFFFFFB3C;
	[sflag:s16] =	ssyncset.done $0x0  }
.LBB2_8:
0x44: {  	s20 =	smov.u32 s18  }
0x45: {  	s19 =	sadd.s32 s18, s8;
	[sflag:s16] =	ssyncadd.s32 $0xFFFFD800;
	s20 =	sadd.s32 $0x14, s18  }
0x46: {  	[spmem:s1] =	stream.indirect.scatter.add.f32 [tilespmem:s13], [sflag:$0x1], $0x80, s11, s12, $0xb8;
	[tilespmem:$0x16900] =	vst v63  }
0x47: {  	p0 =	sne.s32 s18, $0xFFFFFFEC;
	s21 =	sadd.s32 $0x4E2, s19  }
0x48: {  	[tilespmem:s14], [sflag:$0x3] =	stream.linear.gather [hbm4b:s21+s3], $0x50, $0x38;
	[tilespmem:$0x16900] =	vst v63  }
0x49: {  	_ =	swait.ge [sflag:s10], $0x50  }
0x4a: {  	[sflag:s10] =	ssyncset.done $0x0  }
0x4b: {  	[sflag:s10] =	ssyncadd.s32 $0xFFFFFFB0  }
0x4c: {  	_ =	swait.ge [sflag:s15], $0x2800  }
0x4d: {  	[sflag:s15] =	ssyncset.done $0x0  }
0x4e: {  	[sflag:s15] =	ssyncadd.s32 $0xFFFFD800  }
0x4f: {  	[spmem:s1] =	stream.indirect.scatter.add.f32 [tilespmem:s13], [sflag:$0x2], $0x80, s14, s12, $0xb8;
	[tilespmem:$0x16900] =	vst v63  }
0x50: {  	s18 =	sadd.s32 $0x4EC, s19  }
0x51: {  	[tilespmem:s11], [sflag:$0x3] =	stream.linear.gather [hbm4b:s18+s3], $0x50, $0x38;
	[tilespmem:$0x16900] =	vst v63  }
.Ltmp3:
0x52: {  	_ =	swait.ge [sflag:s10], $0x50;
	(pc) =	sbr.rel @p0 .LBB2_8-.Ltmp3, $4  }
0x53: {  	[sflag:s10] =	ssyncset.done $0x0  }
0x54: {  	[sflag:s10] =	ssyncadd.s32 $0xFFFFFFB0  }
0x55: {  	_ =	swait.ge [sflag:s16], $0x2800  }
0x56: {  	s18 =	smov.u32 s20;
	[sflag:s16] =	ssyncset.done $0x0  }
0x57: {  	[sflag:s16] =	ssyncadd.s32 $0xFFFFD800  }
0x58: {  	[spmem:s1] =	stream.indirect.scatter.add.f32 [tilespmem:s13], [sflag:$0x3], $0x80, s11, s12, $0xb8;
	[tilespmem:$0x16900] =	vst v63  }
0x59: {  	_ =	swait.ge [sflag:s10], $0x2800  }
0x5a: {  	s18 =	sshll.u32 s2, $0x6;
	s17 =	sadd.s32 $0x1, s17;
	[sflag:s10] =	ssyncset.done $0x0  }
0x5b: {  	s19 =	sshrl.u32 s4, $0x3;
	p0 =	sne.s32 s17, s7;
	[sflag:s10] =	ssyncadd.s32 $0xFFFFD800  }
.Ltmp4:
0x5c: {  	s18 =	sor.u32 $0x1C03, s18;
	[bflag:$0x0] =	sbarrier.arrive $0xFFFF;
	(pc) =	sbr.rel @p0 .LBB2_1-.Ltmp4, $4  }
0x5d: {  	[hbm:s6], [sflag:s18] =	dma.local [spmem:s19], $0x2780  }
0x5e: {  	_ =	swait.ge [sflag:s10], $0x2780  }
0x5f: {  	[sflag:s10] =	ssyncset.done $0x0  }
0x60: {  	[sflag:s10] =	ssyncadd.s32 $0xFFFFD880  }
0x61: {  	_ =	sfence.sel $0x180000  }
0x62: {  	[bflag:$0x0] =	sbarrier.arrive $0xFFFF  }
0x63: {  	p0 =	sne.s32 s2, $0x0;
	_ =	strace $0x9000004A  }
0x64: {  	s0 =	sadd.s32 @!p0 $0x100000, s0;
	[bflag:$0x2] =	sbarrier.arrive $0xFFFF  }
0x65: {  	[sflag:s0] =	ssyncadd.tile.s32 @!p0 $0x1;
	_ =	shalt  }
.Lfunc_end2:
_tile_overlayer_lowered:
.L_overlay_start_2:
0x66: {  	(tag) =	ssettag $0x2  }
0x67: {  	s0 =	rddreg [dreg:$0x0];
	s2 =	stileid.u32  }
0x68: {  	s1 =	rddreg [dreg:$0x1];
	p0 =	sne.s32 s2, $0x0  }
0x69: {  	s3 =	rddreg [dreg:$0x2];
	[bflag:$0x3] =	sbarrier.arrive $0xFFFF;
	s2 =	simm.s32 @!p0 $0x1C03  }
0x6a: {  	[timem:s3], [sflag:s2] =	dma.local @!p0 [hbm:s0], s1  }
0x6b: {  	s0 =	simm.s32 @!p0 $0x3  }
0x6c: {  	_ =	swait.ge @!p0 [sflag:s0], s1  }
0x6d: {  	s1 =	ssub.s32 @!p0 $0x0, s1;
	[sflag:s0] =	ssyncset.done @!p0 $0x0  }
0x6e: {  	[sflag:s0] =	ssyncadd.s32 @!p0 s1  }
0x6f: {  	[bflag:$0x3] =	sbarrier.arrive $0xFFFF  }
0x70: {  	_ =	shalt  }

</sc_bundles>
